<compile_context>
chip_gen: v7x
topology: tpu7x:2x2x1
jax: 0.10.2.dev20260603
libtpu: 0.0.44.dev20260713+nightly
codegen_flags: <defaults>
</compile_context>

<pallas_src>
import functools

import jax
import jax.numpy as jnp
from jax import lax
from jax.experimental import pallas as pl
from jax.experimental.pallas import tpu as pltpu
from jax.experimental.pallas import tpu_sc as plsc

_GAMMA = 0.01
_INV_GAMMA = 100.0
_LOG2 = 0.6931471805599453
_C1 = _LOG2 / (2.0 ** 23)
_C2 = 126.94269504 * _LOG2

_B, _G, _S, _L = 64, 2048, 64, 4
_LANES = 16
_NC, _NS = 2, 16
_BH = _B // _NC
_GBLK = (_G // _LANES) // _NS
_GT = _GBLK * _LANES
_SL = _S * _L
_PITCH = _GT + 1
_GCH = 64
_SLP = _SL // 2


def _tile_body(x_hbm, i0_hbm, out_hbm, xv, ivr, itl, ov, xsem):
    c = lax.axis_index("c")
    sc = lax.axis_index("s")
    g0 = sc * _GT

    xcp = pltpu.async_copy(x_hbm.at[pl.ds(c * _BH, _BH)], xv, xsem)

    iota129 = jnp.arange(_LANES, dtype=jnp.int32) * _PITCH
    for chunk in range(_GT // _GCH):
        pltpu.sync_copy(i0_hbm.at[pl.ds(g0 + chunk * _GCH, _GCH)], ivr)

        def tslv(slv, _, chunk=chunk):
            basev = iota129 + (slv * (_LANES * _PITCH) + chunk * _GCH)

            def tg(g8, _):
                for j in range(8):
                    g = g8 * 8 + j
                    v = ivr[g, pl.ds(slv * _LANES, _LANES)]
                    plsc.store_scatter(itl, [basev + g], v)
                return 0

            lax.fori_loop(0, _GCH // 8, tg, 0)
            return 0

        lax.fori_loop(0, _SLP // _LANES, tslv, 0)

    xcp.wait()

    zero = jnp.zeros((_LANES,), jnp.float32)

    def outer(i):
        gb = i // 4
        b8 = i - gb * 4

        def inner(s, carry):
            ms, ss = carry
            p0 = itl[pl.ds((s * 2) * _PITCH + gb * _LANES, _LANES)]
            p1 = itl[pl.ds((s * 2 + 1) * _PITCH + gb * _LANES, _LANES)]
            idx = [jnp.bitwise_and(p0, 0xFFFF),
                   lax.shift_right_logical(p0, 16),
                   jnp.bitwise_and(p1, 0xFFFF),
                   lax.shift_right_logical(p1, 16)]
            new_m, new_s = [], []
            for j in range(8):
                row = xv.at[b8 * 8 + j]
                g0v = plsc.load_gather(row, [idx[0]])
                g1v = plsc.load_gather(row, [idx[1]])
                g2v = plsc.load_gather(row, [idx[2]])
                g3v = plsc.load_gather(row, [idx[3]])
                t = ((g0v * g1v) * (g2v * g3v)) * _INV_GAMMA
                m = jnp.maximum(ms[j], t)
                new_s.append(ss[j] * jnp.exp(ms[j] - m) + jnp.exp(t - m))
                new_m.append(m)
            return (tuple(new_m), tuple(new_s))

        init = (tuple(zero for _ in range(8)), tuple(zero for _ in range(8)))
        ms, ss = lax.fori_loop(0, _S, inner, init)

        for j in range(8):
            sv = ss[j]
            y = plsc.bitcast(sv, jnp.int32).astype(jnp.float32) * _C1 - _C2
            y = y - 1.0 + sv * jnp.exp(-y)
            ov[b8 * 8 + j, pl.ds(gb * _LANES, _LANES)] = (ms[j] + y) * _GAMMA

    plsc.parallel_loop(0, _GBLK * 4, 1)(outer)
    pltpu.sync_copy(ov, out_hbm.at[pl.ds(c * _BH, _BH), pl.ds(sc * _GT, _GT)])


@jax.jit
def _clause_fn(x, i0):
    mesh = plsc.VectorSubcoreMesh(core_axis_name="c", subcore_axis_name="s",
                                  num_cores=_NC, num_subcores=_NS)
    run = pl.kernel(
        _tile_body,
        out_type=jax.ShapeDtypeStruct((_B, _G), jnp.float32),
        mesh=mesh,
        scratch_types=[
            pltpu.VMEM((_BH, _G), jnp.float32),
            pltpu.VMEM((_GCH, _SLP), jnp.int32),
            pltpu.VMEM((_SLP * _PITCH,), jnp.int32),
            pltpu.VMEM((_BH, _GT), jnp.float32),
            pltpu.SemaphoreType.DMA,
        ],
        compiler_params=pltpu.CompilerParams(use_tc_tiling_on_sc=False,
                                             needs_layout_passes=False,
                                             disable_bounds_checks=True,
                                             disable_semaphore_checks=True),
    )
    return run(x, i0)


def kernel(x, I):
    i0 = I[0].reshape(_G, _SLP, 2)
    ip = i0[:, :, 0] | (i0[:, :, 1] << 16)
    return _clause_fn(x, ip)

# --- scband reference (transcript-rebuilt; emitter-appended) ---
"""Pipeline reference for scband-clause-function-18227841204323 (READ-ONLY COPY).

The authoritative reference and input builder live on the scoring server;
editing this copy changes nothing except your own understanding.
"""

import jax, jax.numpy as jnp
import numpy as np

GAMMA = 0.01
CLAUSE_I = 0


def softor(xs, axis, gamma):
    # soft disjunction: gamma * logsumexp(xs / gamma)
    return gamma * jax.nn.logsumexp(xs / gamma, axis=axis)


def setup_inputs(seed: int = 0) -> dict:
    key = jax.random.key(seed)
    k1, k2 = jax.random.split(key)
    B, C, G, S, L = 64, 8, 2048, 64, 4
    x = jax.random.uniform(k1, (B, G), dtype=jnp.float32)
    I = jax.random.randint(k2, (C, G, S, L), 0, G, dtype=jnp.int32)
    return {"x": x, "I": I}


def reference(x, I):
    # x: [B, G] valuation vector; I: [C, G, S, L] int index tensor (init constant)
    I_i = I[CLAUSE_I]                 # [G, S, L]
    # torch.gather(V_tild, 1, I_i_tild)[b,g,s,l] == x[b, I_i[g,s,l]]
    gathered = x[:, I_i]              # [B, G, S, L]
    body = jnp.prod(gathered, axis=3) # soft conjunction over body atoms -> [B, G, S]
    Cval = softor(body, axis=2, gamma=GAMMA)  # soft disjunction over substitutions -> [B, G]
    return Cval

if __name__ == "__main__":
    import jax
    _d = setup_inputs()
    print(jax.jit(kernel)(*tuple(_d.values())))

</pallas_src>

<mosaic_0001>
#map = affine_map<(d0, d1) -> (0, 0)>
module attributes {stable_mosaic.version = 14 : i64} {
  func.func @_tile_body(%arg0: i32, %arg1: i32, %arg2: memref<64x2048xf32, #tpu.memory_space<hbm>>, %arg3: memref<2048x128xi32, #tpu.memory_space<hbm>>, %arg4: memref<64x2048xf32, #tpu.memory_space<hbm>>, %arg5: memref<32x2048xf32, #tpu.memory_space<vmem>>, %arg6: memref<64x128xi32, #tpu.memory_space<vmem>>, %arg7: memref<16512xi32, #tpu.memory_space<vmem>>, %arg8: memref<32x128xf32, #tpu.memory_space<vmem>>, %arg9: memref<!tpu.dma_semaphore, #tpu.memory_space<semaphore_mem>>) attributes {dimension_semantics = [#tpu.dimension_semantics<core_parallel>, #tpu.dimension_semantics<subcore_parallel>], iteration_bounds = array<i64: 2, 16>, scalar_prefetch = 0 : i64, scratch_operands = 5 : i64, tpu.core_type = #tpu.core_type<sc_vector_subcore>, window_params = [{transform_indices = #map}, {transform_indices = #map}, {transform_indices = #map}]} {
    %mul3A = arith.constant 128 : i32
    %mul3A_0 = arith.muli %arg1, %mul3A : i32
    %mul3A_1 = arith.constant 32 : i32
    %mul3A_2 = arith.muli %arg0, %mul3A_1 : i32
    %dma_start3A = arith.constant 0 : i32
    %dma_start3A_3 = tpu.memref_slice %arg2[%mul3A_2, %dma_start3A] : memref<64x2048xf32, #tpu.memory_space<hbm>> -> memref<32x2048xf32, #tpu.memory_space<hbm>>
    %dma_start3A_4 = arith.constant 0 : i32
    %dma_start3A_5 = tpu.memref_slice %arg2[%mul3A_2, %dma_start3A_4] : memref<64x2048xf32, #tpu.memory_space<hbm>> -> memref<32x2048xf32, #tpu.memory_space<hbm>>
    tpu.enqueue_dma source(%dma_start3A_5 : memref<32x2048xf32, #tpu.memory_space<hbm>>) target(%arg5 : memref<32x2048xf32, #tpu.memory_space<vmem>>) target_semaphore(%arg9 : memref<!tpu.dma_semaphore, #tpu.memory_space<semaphore_mem>>)
    %iota3A = tpu.iota {dimensions = array<i32: 0>} : vector<16xi32>
    %mul3A_6 = arith.constant 129 : i32
    %mul3A_7 = vector.broadcast %mul3A_6 : i32 to vector<16xi32>
    %mul3A_8 = arith.muli %iota3A, %mul3A_7 : vector<16xi32>
    %add3A = arith.constant 0 : i32
    %add3A_9 = arith.addi %mul3A_0, %add3A : i32
    "tpu.region"() ({
      %run_scoped3A = tpu.sem_alloc : memref<!tpu.dma_semaphore, #tpu.memory_space<semaphore_mem>>
      %dma_start3A_35 = arith.constant 0 : i32
      %dma_start3A_36 = tpu.memref_slice %arg3[%add3A_9, %dma_start3A_35] : memref<2048x128xi32, #tpu.memory_space<hbm>> -> memref<64x128xi32, #tpu.memory_space<hbm>>
      %dma_start3A_37 = arith.constant 0 : i32
      %dma_start3A_38 = tpu.memref_slice %arg3[%add3A_9, %dma_start3A_37] : memref<2048x128xi32, #tpu.memory_space<hbm>> -> memref<64x128xi32, #tpu.memory_space<hbm>>
      tpu.enqueue_dma source(%dma_start3A_38 : memref<64x128xi32, #tpu.memory_space<hbm>>) target(%arg6 : memref<64x128xi32, #tpu.memory_space<vmem>>) target_semaphore(%run_scoped3A : memref<!tpu.dma_semaphore, #tpu.memory_space<semaphore_mem>>)
      %dma_wait3A_39 = arith.constant 0 : i32
      %dma_wait3A_40 = tpu.memref_slice %arg3[%add3A_9, %dma_wait3A_39] : memref<2048x128xi32, #tpu.memory_space<hbm>> -> memref<64x128xi32, #tpu.memory_space<hbm>>
      %dma_wait3A_41 = arith.constant 0 : i32
      %dma_wait3A_42 = tpu.memref_slice %arg3[%add3A_9, %dma_wait3A_41] : memref<2048x128xi32, #tpu.memory_space<hbm>> -> memref<64x128xi32, #tpu.memory_space<hbm>>
      tpu.wait_dma2 semaphore(%run_scoped3A : memref<!tpu.dma_semaphore, #tpu.memory_space<semaphore_mem>>) src(%dma_wait3A_42 : memref<64x128xi32, #tpu.memory_space<hbm>>) dst(%arg6 : memref<64x128xi32, #tpu.memory_space<vmem>>)
      tpu.yield
    }) : () -> ()
    %scan3A = arith.constant 0 : i32
    %scan3A_10 = arith.constant 0 : i32
    %scan3A_11 = arith.constant 8 : i32
    %scan3A_12 = arith.addi %scan3A_10, %scan3A_11 : i32
    %scan3A_13 = arith.constant 1 : i32
    %scan3A_14 = scf.for %scan3A_35 = %scan3A_10 to %scan3A_12 step %scan3A_13 iter_args(%scan3A_36 = %scan3A) -> (i32)  : i32 {
      %mul3A_37 = arith.constant 2064 : i32
      %mul3A_38 = arith.muli %scan3A_35, %mul3A_37 : i32
      %add3A_39 = arith.constant 0 : i32
      %add3A_40 = arith.addi %mul3A_38, %add3A_39 : i32
      %add3A_41 = vector.broadcast %add3A_40 : i32 to vector<16xi32>
      %add3A_42 = arith.addi %mul3A_8, %add3A_41 : vector<16xi32>
      %scan3A_43 = arith.constant 0 : i32
      %scan3A_44 = arith.constant 0 : i32
      %scan3A_45 = arith.constant 8 : i32
      %scan3A_46 = arith.addi %scan3A_44, %scan3A_45 : i32
      %scan3A_47 = arith.constant 1 : i32
      %scan3A_48 = scf.for %scan3A_51 = %scan3A_44 to %scan3A_46 step %scan3A_47 iter_args(%scan3A_52 = %scan3A_43) -> (i32)  : i32 {
        %mul3A_53 = arith.constant 8 : i32
        %mul3A_54 = arith.muli %scan3A_51, %mul3A_53 : i32
        %add3A_55 = arith.constant 0 : i32
        %add3A_56 = arith.addi %mul3A_54, %add3A_55 : i32
        %mul3A_57 = arith.constant 16 : i32
        %mul3A_58 = arith.muli %scan3A_35, %mul3A_57 : i32
        %get3A = arith.index_cast %add3A_56 : i32 to index
        %get3A_59 = arith.index_cast %mul3A_58 : i32 to index
        %get3A_60 = tpu.vector_load %arg6[%get3A, %get3A_59] {strides = array<i32>} : memref<64x128xi32, #tpu.memory_space<vmem>>, vector<16xi32>,
        %add3A_61 = vector.broadcast %add3A_56 : i32 to vector<16xi32>
        %add3A_62 = arith.addi %add3A_42, %add3A_61 : vector<16xi32>
        tpu.vector_store_idx %arg7[%add3A_62], %get3A_60 : memref<16512xi32, #tpu.memory_space<vmem>>[vector<16xi32>], vector<16xi32>,
        %mul3A_63 = arith.constant 8 : i32
        %mul3A_64 = arith.muli %scan3A_51, %mul3A_63 : i32
        %add3A_65 = arith.constant 1 : i32
        %add3A_66 = arith.addi %mul3A_64, %add3A_65 : i32
        %mul3A_67 = arith.constant 16 : i32
        %mul3A_68 = arith.muli %scan3A_35, %mul3A_67 : i32
        %get3A_69 = arith.index_cast %add3A_66 : i32 to index
        %get3A_70 = arith.index_cast %mul3A_68 : i32 to index
        %get3A_71 = tpu.vector_load %arg6[%get3A_69, %get3A_70] {strides = array<i32>} : memref<64x128xi32, #tpu.memory_space<vmem>>, vector<16xi32>,
        %add3A_72 = vector.broadcast %add3A_66 : i32 to vector<16xi32>
        %add3A_73 = arith.addi %add3A_42, %add3A_72 : vector<16xi32>
        tpu.vector_store_idx %arg7[%add3A_73], %get3A_71 : memref<16512xi32, #tpu.memory_space<vmem>>[vector<16xi32>], vector<16xi32>,
        %mul3A_74 = arith.constant 8 : i32
        %mul3A_75 = arith.muli %scan3A_51, %mul3A_74 : i32
        %add3A_76 = arith.constant 2 : i32
        %add3A_77 = arith.addi %mul3A_75, %add3A_76 : i32
        %mul3A_78 = arith.constant 16 : i32
        %mul3A_79 = arith.muli %scan3A_35, %mul3A_78 : i32
        %get3A_80 = arith.index_cast %add3A_77 : i32 to index
        %get3A_81 = arith.index_cast %mul3A_79 : i32 to index
        %get3A_82 = tpu.vector_load %arg6[%get3A_80, %get3A_81] {strides = array<i32>} : memref<64x128xi32, #tpu.memory_space<vmem>>, vector<16xi32>,
        %add3A_83 = vector.broadcast %add3A_77 : i32 to vector<16xi32>
        %add3A_84 = arith.addi %add3A_42, %add3A_83 : vector<16xi32>
        tpu.vector_store_idx %arg7[%add3A_84], %get3A_82 : memref<16512xi32, #tpu.memory_space<vmem>>[vector<16xi32>], vector<16xi32>,
        %mul3A_85 = arith.constant 8 : i32
        %mul3A_86 = arith.muli %scan3A_51, %mul3A_85 : i32
        %add3A_87 = arith.constant 3 : i32
        %add3A_88 = arith.addi %mul3A_86, %add3A_87 : i32
        %mul3A_89 = arith.constant 16 : i32
        %mul3A_90 = arith.muli %scan3A_35, %mul3A_89 : i32
        %get3A_91 = arith.index_cast %add3A_88 : i32 to index
        %get3A_92 = arith.index_cast %mul3A_90 : i32 to index
        %get3A_93 = tpu.vector_load %arg6[%get3A_91, %get3A_92] {strides = array<i32>} : memref<64x128xi32, #tpu.memory_space<vmem>>, vector<16xi32>,
        %add3A_94 = vector.broadcast %add3A_88 : i32 to vector<16xi32>
        %add3A_95 = arith.addi %add3A_42, %add3A_94 : vector<16xi32>
        tpu.vector_store_idx %arg7[%add3A_95], %get3A_93 : memref<16512xi32, #tpu.memory_space<vmem>>[vector<16xi32>], vector<16xi32>,
        %mul3A_96 = arith.constant 8 : i32
        %mul3A_97 = arith.muli %scan3A_51, %mul3A_96 : i32
        %add3A_98 = arith.constant 4 : i32
        %add3A_99 = arith.addi %mul3A_97, %add3A_98 : i32
        %mul3A_100 = arith.constant 16 : i32
        %mul3A_101 = arith.muli %scan3A_35, %mul3A_100 : i32
        %get3A_102 = arith.index_cast %add3A_99 : i32 to index
        %get3A_103 = arith.index_cast %mul3A_101 : i32 to index
        %get3A_104 = tpu.vector_load %arg6[%get3A_102, %get3A_103] {strides = array<i32>} : memref<64x128xi32, #tpu.memory_space<vmem>>, vector<16xi32>,
        %add3A_105 = vector.broadcast %add3A_99 : i32 to vector<16xi32>
        %add3A_106 = arith.addi %add3A_42, %add3A_105 : vector<16xi32>
        tpu.vector_store_idx %arg7[%add3A_106], %get3A_104 : memref<16512xi32, #tpu.memory_space<vmem>>[vector<16xi32>], vector<16xi32>,
        %mul3A_107 = arith.constant 8 : i32
        %mul3A_108 = arith.muli %scan3A_51, %mul3A_107 : i32
        %add3A_109 = arith.constant 5 : i32
        %add3A_110 = arith.addi %mul3A_108, %add3A_109 : i32
        %mul3A_111 = arith.constant 16 : i32
        %mul3A_112 = arith.muli %scan3A_35, %mul3A_111 : i32
        %get3A_113 = arith.index_cast %add3A_110 : i32 to index
        %get3A_114 = arith.index_cast %mul3A_112 : i32 to index
        %get3A_115 = tpu.vector_load %arg6[%get3A_113, %get3A_114] {strides = array<i32>} : memref<64x128xi32, #tpu.memory_space<vmem>>, vector<16xi32>,
        %add3A_116 = vector.broadcast %add3A_110 : i32 to vector<16xi32>
        %add3A_117 = arith.addi %add3A_42, %add3A_116 : vector<16xi32>
        tpu.vector_store_idx %arg7[%add3A_117], %get3A_115 : memref<16512xi32, #tpu.memory_space<vmem>>[vector<16xi32>], vector<16xi32>,
        %mul3A_118 = arith.constant 8 : i32
        %mul3A_119 = arith.muli %scan3A_51, %mul3A_118 : i32
        %add3A_120 = arith.constant 6 : i32
        %add3A_121 = arith.addi %mul3A_119, %add3A_120 : i32
        %mul3A_122 = arith.constant 16 : i32
        %mul3A_123 = arith.muli %scan3A_35, %mul3A_122 : i32
        %get3A_124 = arith.index_cast %add3A_121 : i32 to index
        %get3A_125 = arith.index_cast %mul3A_123 : i32 to index
        %get3A_126 = tpu.vector_load %arg6[%get3A_124, %get3A_125] {strides = array<i32>} : memref<64x128xi32, #tpu.memory_space<vmem>>, vector<16xi32>,
        %add3A_127 = vector.broadcast %add3A_121 : i32 to vector<16xi32>
        %add3A_128 = arith.addi %add3A_42, %add3A_127 : vector<16xi32>
        tpu.vector_store_idx %arg7[%add3A_128], %get3A_126 : memref<16512xi32, #tpu.memory_space<vmem>>[vector<16xi32>], vector<16xi32>,
        %mul3A_129 = arith.constant 8 : i32
        %mul3A_130 = arith.muli %scan3A_51, %mul3A_129 : i32
        %add3A_131 = arith.constant 7 : i32
        %add3A_132 = arith.addi %mul3A_130, %add3A_131 : i32
        %mul3A_133 = arith.constant 16 : i32
        %mul3A_134 = arith.muli %scan3A_35, %mul3A_133 : i32
        %get3A_135 = arith.index_cast %add3A_132 : i32 to index
        %get3A_136 = arith.index_cast %mul3A_134 : i32 to index
        %get3A_137 = tpu.vector_load %arg6[%get3A_135, %get3A_136] {strides = array<i32>} : memref<64x128xi32, #tpu.memory_space<vmem>>, vector<16xi32>,
        %add3A_138 = vector.broadcast %add3A_132 : i32 to vector<16xi32>
        %add3A_139 = arith.addi %add3A_42, %add3A_138 : vector<16xi32>
        tpu.vector_store_idx %arg7[%add3A_139], %get3A_137 : memref<16512xi32, #tpu.memory_space<vmem>>[vector<16xi32>], vector<16xi32>,
        %scan3A_140 = arith.constant 0 : i32
        scf.yield %scan3A_140 : i32
      }
      %scan3A_49 = arith.constant 8 : i32
      %scan3A_50 = arith.constant 0 : i32
      scf.yield %scan3A_50 : i32
    }
    %scan3A_15 = arith.constant 8 : i32
    %add3A_16 = arith.constant 64 : i32
    %add3A_17 = arith.addi %mul3A_0, %add3A_16 : i32
    "tpu.region"() ({
      %run_scoped3A = tpu.sem_alloc : memref<!tpu.dma_semaphore, #tpu.memory_space<semaphore_mem>>
      %dma_start3A_35 = arith.constant 0 : i32
      %dma_start3A_36 = tpu.memref_slice %arg3[%add3A_17, %dma_start3A_35] : memref<2048x128xi32, #tpu.memory_space<hbm>> -> memref<64x128xi32, #tpu.memory_space<hbm>>
      %dma_start3A_37 = arith.constant 0 : i32
      %dma_start3A_38 = tpu.memref_slice %arg3[%add3A_17, %dma_start3A_37] : memref<2048x128xi32, #tpu.memory_space<hbm>> -> memref<64x128xi32, #tpu.memory_space<hbm>>
      tpu.enqueue_dma source(%dma_start3A_38 : memref<64x128xi32, #tpu.memory_space<hbm>>) target(%arg6 : memref<64x128xi32, #tpu.memory_space<vmem>>) target_semaphore(%run_scoped3A : memref<!tpu.dma_semaphore, #tpu.memory_space<semaphore_mem>>)
      %dma_wait3A_39 = arith.constant 0 : i32
      %dma_wait3A_40 = tpu.memref_slice %arg3[%add3A_17, %dma_wait3A_39] : memref<2048x128xi32, #tpu.memory_space<hbm>> -> memref<64x128xi32, #tpu.memory_space<hbm>>
      %dma_wait3A_41 = arith.constant 0 : i32
      %dma_wait3A_42 = tpu.memref_slice %arg3[%add3A_17, %dma_wait3A_41] : memref<2048x128xi32, #tpu.memory_space<hbm>> -> memref<64x128xi32, #tpu.memory_space<hbm>>
      tpu.wait_dma2 semaphore(%run_scoped3A : memref<!tpu.dma_semaphore, #tpu.memory_space<semaphore_mem>>) src(%dma_wait3A_42 : memref<64x128xi32, #tpu.memory_space<hbm>>) dst(%arg6 : memref<64x128xi32, #tpu.memory_space<vmem>>)
      tpu.yield
    }) : () -> ()
    %scan3A_18 = arith.constant 0 : i32
    %scan3A_19 = arith.constant 0 : i32
    %scan3A_20 = arith.constant 8 : i32
    %scan3A_21 = arith.addi %scan3A_19, %scan3A_20 : i32
    %scan3A_22 = arith.constant 1 : i32
    %scan3A_23 = scf.for %scan3A_35 = %scan3A_19 to %scan3A_21 step %scan3A_22 iter_args(%scan3A_36 = %scan3A_18) -> (i32)  : i32 {
      %mul3A_37 = arith.constant 2064 : i32
      %mul3A_38 = arith.muli %scan3A_35, %mul3A_37 : i32
      %add3A_39 = arith.constant 64 : i32
      %add3A_40 = arith.addi %mul3A_38, %add3A_39 : i32
      %add3A_41 = vector.broadcast %add3A_40 : i32 to vector<16xi32>
      %add3A_42 = arith.addi %mul3A_8, %add3A_41 : vector<16xi32>
      %scan3A_43 = arith.constant 0 : i32
      %scan3A_44 = arith.constant 0 : i32
      %scan3A_45 = arith.constant 8 : i32
      %scan3A_46 = arith.addi %scan3A_44, %scan3A_45 : i32
      %scan3A_47 = arith.constant 1 : i32
      %scan3A_48 = scf.for %scan3A_51 = %scan3A_44 to %scan3A_46 step %scan3A_47 iter_args(%scan3A_52 = %scan3A_43) -> (i32)  : i32 {
        %mul3A_53 = arith.constant 8 : i32
        %mul3A_54 = arith.muli %scan3A_51, %mul3A_53 : i32
        %add3A_55 = arith.constant 0 : i32
        %add3A_56 = arith.addi %mul3A_54, %add3A_55 : i32
        %mul3A_57 = arith.constant 16 : i32
        %mul3A_58 = arith.muli %scan3A_35, %mul3A_57 : i32
        %get3A = arith.index_cast %add3A_56 : i32 to index
        %get3A_59 = arith.index_cast %mul3A_58 : i32 to index
        %get3A_60 = tpu.vector_load %arg6[%get3A, %get3A_59] {strides = array<i32>} : memref<64x128xi32, #tpu.memory_space<vmem>>, vector<16xi32>,
        %add3A_61 = vector.broadcast %add3A_56 : i32 to vector<16xi32>
        %add3A_62 = arith.addi %add3A_42, %add3A_61 : vector<16xi32>
        tpu.vector_store_idx %arg7[%add3A_62], %get3A_60 : memref<16512xi32, #tpu.memory_space<vmem>>[vector<16xi32>], vector<16xi32>,
        %mul3A_63 = arith.constant 8 : i32
        %mul3A_64 = arith.muli %scan3A_51, %mul3A_63 : i32
        %add3A_65 = arith.constant 1 : i32
        %add3A_66 = arith.addi %mul3A_64, %add3A_65 : i32
        %mul3A_67 = arith.constant 16 : i32
        %mul3A_68 = arith.muli %scan3A_35, %mul3A_67 : i32
        %get3A_69 = arith.index_cast %add3A_66 : i32 to index
        %get3A_70 = arith.index_cast %mul3A_68 : i32 to index
        %get3A_71 = tpu.vector_load %arg6[%get3A_69, %get3A_70] {strides = array<i32>} : memref<64x128xi32, #tpu.memory_space<vmem>>, vector<16xi32>,
        %add3A_72 = vector.broadcast %add3A_66 : i32 to vector<16xi32>
        %add3A_73 = arith.addi %add3A_42, %add3A_72 : vector<16xi32>
        tpu.vector_store_idx %arg7[%add3A_73], %get3A_71 : memref<16512xi32, #tpu.memory_space<vmem>>[vector<16xi32>], vector<16xi32>,
        %mul3A_74 = arith.constant 8 : i32
        %mul3A_75 = arith.muli %scan3A_51, %mul3A_74 : i32
        %add3A_76 = arith.constant 2 : i32
        %add3A_77 = arith.addi %mul3A_75, %add3A_76 : i32
        %mul3A_78 = arith.constant 16 : i32
        %mul3A_79 = arith.muli %scan3A_35, %mul3A_78 : i32
        %get3A_80 = arith.index_cast %add3A_77 : i32 to index
        %get3A_81 = arith.index_cast %mul3A_79 : i32 to index
        %get3A_82 = tpu.vector_load %arg6[%get3A_80, %get3A_81] {strides = array<i32>} : memref<64x128xi32, #tpu.memory_space<vmem>>, vector<16xi32>,
        %add3A_83 = vector.broadcast %add3A_77 : i32 to vector<16xi32>
        %add3A_84 = arith.addi %add3A_42, %add3A_83 : vector<16xi32>
        tpu.vector_store_idx %arg7[%add3A_84], %get3A_82 : memref<16512xi32, #tpu.memory_space<vmem>>[vector<16xi32>], vector<16xi32>,
        %mul3A_85 = arith.constant 8 : i32
        %mul3A_86 = arith.muli %scan3A_51, %mul3A_85 : i32
        %add3A_87 = arith.constant 3 : i32
        %add3A_88 = arith.addi %mul3A_86, %add3A_87 : i32
        %mul3A_89 = arith.constant 16 : i32
        %mul3A_90 = arith.muli %scan3A_35, %mul3A_89 : i32
        %get3A_91 = arith.index_cast %add3A_88 : i32 to index
        %get3A_92 = arith.index_cast %mul3A_90 : i32 to index
        %get3A_93 = tpu.vector_load %arg6[%get3A_91, %get3A_92] {strides = array<i32>} : memref<64x128xi32, #tpu.memory_space<vmem>>, vector<16xi32>,
        %add3A_94 = vector.broadcast %add3A_88 : i32 to vector<16xi32>
        %add3A_95 = arith.addi %add3A_42, %add3A_94 : vector<16xi32>
        tpu.vector_store_idx %arg7[%add3A_95], %get3A_93 : memref<16512xi32, #tpu.memory_space<vmem>>[vector<16xi32>], vector<16xi32>,
        %mul3A_96 = arith.constant 8 : i32
        %mul3A_97 = arith.muli %scan3A_51, %mul3A_96 : i32
        %add3A_98 = arith.constant 4 : i32
        %add3A_99 = arith.addi %mul3A_97, %add3A_98 : i32
        %mul3A_100 = arith.constant 16 : i32
        %mul3A_101 = arith.muli %scan3A_35, %mul3A_100 : i32
        %get3A_102 = arith.index_cast %add3A_99 : i32 to index
        %get3A_103 = arith.index_cast %mul3A_101 : i32 to index
        %get3A_104 = tpu.vector_load %arg6[%get3A_102, %get3A_103] {strides = array<i32>} : memref<64x128xi32, #tpu.memory_space<vmem>>, vector<16xi32>,
        %add3A_105 = vector.broadcast %add3A_99 : i32 to vector<16xi32>
        %add3A_106 = arith.addi %add3A_42, %add3A_105 : vector<16xi32>
        tpu.vector_store_idx %arg7[%add3A_106], %get3A_104 : memref<16512xi32, #tpu.memory_space<vmem>>[vector<16xi32>], vector<16xi32>,
        %mul3A_107 = arith.constant 8 : i32
        %mul3A_108 = arith.muli %scan3A_51, %mul3A_107 : i32
        %add3A_109 = arith.constant 5 : i32
        %add3A_110 = arith.addi %mul3A_108, %add3A_109 : i32
        %mul3A_111 = arith.constant 16 : i32
        %mul3A_112 = arith.muli %scan3A_35, %mul3A_111 : i32
        %get3A_113 = arith.index_cast %add3A_110 : i32 to index
        %get3A_114 = arith.index_cast %mul3A_112 : i32 to index
        %get3A_115 = tpu.vector_load %arg6[%get3A_113, %get3A_114] {strides = array<i32>} : memref<64x128xi32, #tpu.memory_space<vmem>>, vector<16xi32>,
        %add3A_116 = vector.broadcast %add3A_110 : i32 to vector<16xi32>
        %add3A_117 = arith.addi %add3A_42, %add3A_116 : vector<16xi32>
        tpu.vector_store_idx %arg7[%add3A_117], %get3A_115 : memref<16512xi32, #tpu.memory_space<vmem>>[vector<16xi32>], vector<16xi32>,
        %mul3A_118 = arith.constant 8 : i32
        %mul3A_119 = arith.muli %scan3A_51, %mul3A_118 : i32
        %add3A_120 = arith.constant 6 : i32
        %add3A_121 = arith.addi %mul3A_119, %add3A_120 : i32
        %mul3A_122 = arith.constant 16 : i32
        %mul3A_123 = arith.muli %scan3A_35, %mul3A_122 : i32
        %get3A_124 = arith.index_cast %add3A_121 : i32 to index
        %get3A_125 = arith.index_cast %mul3A_123 : i32 to index
        %get3A_126 = tpu.vector_load %arg6[%get3A_124, %get3A_125] {strides = array<i32>} : memref<64x128xi32, #tpu.memory_space<vmem>>, vector<16xi32>,
        %add3A_127 = vector.broadcast %add3A_121 : i32 to vector<16xi32>
        %add3A_128 = arith.addi %add3A_42, %add3A_127 : vector<16xi32>
        tpu.vector_store_idx %arg7[%add3A_128], %get3A_126 : memref<16512xi32, #tpu.memory_space<vmem>>[vector<16xi32>], vector<16xi32>,
        %mul3A_129 = arith.constant 8 : i32
        %mul3A_130 = arith.muli %scan3A_51, %mul3A_129 : i32
        %add3A_131 = arith.constant 7 : i32
        %add3A_132 = arith.addi %mul3A_130, %add3A_131 : i32
        %mul3A_133 = arith.constant 16 : i32
        %mul3A_134 = arith.muli %scan3A_35, %mul3A_133 : i32
        %get3A_135 = arith.index_cast %add3A_132 : i32 to index
        %get3A_136 = arith.index_cast %mul3A_134 : i32 to index
        %get3A_137 = tpu.vector_load %arg6[%get3A_135, %get3A_136] {strides = array<i32>} : memref<64x128xi32, #tpu.memory_space<vmem>>, vector<16xi32>,
        %add3A_138 = vector.broadcast %add3A_132 : i32 to vector<16xi32>
        %add3A_139 = arith.addi %add3A_42, %add3A_138 : vector<16xi32>
        tpu.vector_store_idx %arg7[%add3A_139], %get3A_137 : memref<16512xi32, #tpu.memory_space<vmem>>[vector<16xi32>], vector<16xi32>,
        %scan3A_140 = arith.constant 0 : i32
        scf.yield %scan3A_140 : i32
      }
      %scan3A_49 = arith.constant 8 : i32
      %scan3A_50 = arith.constant 0 : i32
      scf.yield %scan3A_50 : i32
    }
    %scan3A_24 = arith.constant 8 : i32
    %dma_wait3A = arith.constant 0 : i32
    %dma_wait3A_25 = tpu.memref_slice %arg2[%mul3A_2, %dma_wait3A] : memref<64x2048xf32, #tpu.memory_space<hbm>> -> memref<32x2048xf32, #tpu.memory_space<hbm>>
    %dma_wait3A_26 = arith.constant 0 : i32
    %dma_wait3A_27 = tpu.memref_slice %arg2[%mul3A_2, %dma_wait3A_26] : memref<64x2048xf32, #tpu.memory_space<hbm>> -> memref<32x2048xf32, #tpu.memory_space<hbm>>
    tpu.wait_dma2 semaphore(%arg9 : memref<!tpu.dma_semaphore, #tpu.memory_space<semaphore_mem>>) src(%dma_wait3A_27 : memref<32x2048xf32, #tpu.memory_space<hbm>>) dst(%arg5 : memref<32x2048xf32, #tpu.memory_space<vmem>>)
    %broadcast_in_dim3A = arith.constant 0.000000e+00 : f32
    %broadcast_in_dim3A_28 = vector.broadcast %broadcast_in_dim3A : f32 to vector<16xf32>
    %parallel_loop3A = arith.constant 0 : i32
    %parallel_loop3A_29 = arith.constant 32 : i32
    %parallel_loop3A_30 = arith.constant 1 : i32
    scf.for %parallel_loop3A_35 = %parallel_loop3A to %parallel_loop3A_29 step %parallel_loop3A_30  : i32 {
      %parallel_loop3A_36 = arith.constant 4 : i32
      %parallel_loop3A_37 = arith.divsi %parallel_loop3A_35, %parallel_loop3A_36 : i32
      %parallel_loop3A_38 = arith.constant 0 : i32
      %parallel_loop3A_39 = arith.cmpi sgt, %parallel_loop3A_35, %parallel_loop3A_38 : i32
      %parallel_loop3A_40 = arith.extui %parallel_loop3A_39 : i1 to i32
      %parallel_loop3A_41 = arith.constant 0 : i32
      %parallel_loop3A_42 = arith.cmpi slt, %parallel_loop3A_35, %parallel_loop3A_41 : i32
      %parallel_loop3A_43 = arith.extui %parallel_loop3A_42 : i1 to i32
      %parallel_loop3A_44 = arith.subi %parallel_loop3A_40, %parallel_loop3A_43 : i32
      %parallel_loop3A_45 = arith.constant 0 : i32
      %parallel_loop3A_46 = arith.cmpi sgt, %parallel_loop3A_36, %parallel_loop3A_45 : i32
      %parallel_loop3A_47 = arith.extui %parallel_loop3A_46 : i1 to i32
      %parallel_loop3A_48 = arith.constant 0 : i32
      %parallel_loop3A_49 = arith.cmpi slt, %parallel_loop3A_36, %parallel_loop3A_48 : i32
      %parallel_loop3A_50 = arith.extui %parallel_loop3A_49 : i1 to i32
      %parallel_loop3A_51 = arith.subi %parallel_loop3A_47, %parallel_loop3A_50 : i32
      %parallel_loop3A_52 = arith.cmpi ne, %parallel_loop3A_44, %parallel_loop3A_51 : i32
      %parallel_loop3A_53 = arith.remsi %parallel_loop3A_35, %parallel_loop3A_36 : i32
      %parallel_loop3A_54 = arith.constant 0 : i32
      %parallel_loop3A_55 = arith.cmpi ne, %parallel_loop3A_53, %parallel_loop3A_54 : i32
      %parallel_loop3A_56 = arith.andi %parallel_loop3A_52, %parallel_loop3A_55 : i1
      %parallel_loop3A_57 = arith.constant 1 : i32
      %parallel_loop3A_58 = arith.subi %parallel_loop3A_37, %parallel_loop3A_57 : i32
      %parallel_loop3A_59 = arith.select %parallel_loop3A_56, %parallel_loop3A_58, %parallel_loop3A_37 : i32
      %parallel_loop3A_60 = arith.constant 4 : i32
      %parallel_loop3A_61 = arith.muli %parallel_loop3A_59, %parallel_loop3A_60 : i32
      %parallel_loop3A_62 = arith.subi %parallel_loop3A_35, %parallel_loop3A_61 : i32
      %parallel_loop3A_63 = arith.constant 0 : i32
      %parallel_loop3A_64 = arith.constant 64 : i32
      %parallel_loop3A_65 = arith.addi %parallel_loop3A_63, %parallel_loop3A_64 : i32
      %parallel_loop3A_66 = arith.constant 1 : i32
      %parallel_loop3A_67:16 = scf.for %scan3A_309 = %parallel_loop3A_63 to %parallel_loop3A_65 step %parallel_loop3A_66 iter_args(%scan3A_310 = %broadcast_in_dim3A_28, %scan3A_311 = %broadcast_in_dim3A_28, %scan3A_312 = %broadcast_in_dim3A_28, %scan3A_313 = %broadcast_in_dim3A_28, %scan3A_314 = %broadcast_in_dim3A_28, %scan3A_315 = %broadcast_in_dim3A_28, %scan3A_316 = %broadcast_in_dim3A_28, %scan3A_317 = %broadcast_in_dim3A_28, %scan3A_318 = %broadcast_in_dim3A_28, %scan3A_319 = %broadcast_in_dim3A_28, %scan3A_320 = %broadcast_in_dim3A_28, %scan3A_321 = %broadcast_in_dim3A_28, %scan3A_322 = %broadcast_in_dim3A_28, %scan3A_323 = %broadcast_in_dim3A_28, %scan3A_324 = %broadcast_in_dim3A_28, %scan3A_325 = %broadcast_in_dim3A_28) -> (vector<16xf32>, vector<16xf32>, vector<16xf32>, vector<16xf32>, vector<16xf32>, vector<16xf32>, vector<16xf32>, vector<16xf32>, vector<16xf32>, vector<16xf32>, vector<16xf32>, vector<16xf32>, vector<16xf32>, vector<16xf32>, vector<16xf32>, vector<16xf32>)  : i32 {
        %parallel_loop3A_326 = arith.constant 2 : i32
        %parallel_loop3A_327 = arith.muli %scan3A_309, %parallel_loop3A_326 : i32
        %parallel_loop3A_328 = arith.constant 129 : i32
        %parallel_loop3A_329 = arith.muli %parallel_loop3A_327, %parallel_loop3A_328 : i32
        %parallel_loop3A_330 = arith.constant 16 : i32
        %parallel_loop3A_331 = arith.muli %parallel_loop3A_59, %parallel_loop3A_330 : i32
        %parallel_loop3A_332 = arith.addi %parallel_loop3A_329, %parallel_loop3A_331 : i32
        %parallel_loop3A_333 = arith.index_cast %parallel_loop3A_332 : i32 to index
        %parallel_loop3A_334 = tpu.vector_load %arg7[%parallel_loop3A_333] {strides = array<i32>} : memref<16512xi32, #tpu.memory_space<vmem>>, vector<16xi32>,
        %parallel_loop3A_335 = arith.constant 2 : i32
        %parallel_loop3A_336 = arith.muli %scan3A_309, %parallel_loop3A_335 : i32
        %parallel_loop3A_337 = arith.constant 1 : i32
        %parallel_loop3A_338 = arith.addi %parallel_loop3A_336, %parallel_loop3A_337 : i32
        %parallel_loop3A_339 = arith.constant 129 : i32
        %parallel_loop3A_340 = arith.muli %parallel_loop3A_338, %parallel_loop3A_339 : i32
        %parallel_loop3A_341 = arith.constant 16 : i32
        %parallel_loop3A_342 = arith.muli %parallel_loop3A_59, %parallel_loop3A_341 : i32
        %parallel_loop3A_343 = arith.addi %parallel_loop3A_340, %parallel_loop3A_342 : i32
        %parallel_loop3A_344 = arith.index_cast %parallel_loop3A_343 : i32 to index
        %parallel_loop3A_345 = tpu.vector_load %arg7[%parallel_loop3A_344] {strides = array<i32>} : memref<16512xi32, #tpu.memory_space<vmem>>, vector<16xi32>,
        %parallel_loop3A_346 = arith.constant 65535 : i32
        %parallel_loop3A_347 = vector.broadcast %parallel_loop3A_346 : i32 to vector<16xi32>
        %parallel_loop3A_348 = arith.andi %parallel_loop3A_334, %parallel_loop3A_347 : vector<16xi32>
        %parallel_loop3A_349 = arith.constant 16 : i32
        %parallel_loop3A_350 = vector.broadcast %parallel_loop3A_349 : i32 to vector<16xi32>
        %parallel_loop3A_351 = arith.shrui %parallel_loop3A_334, %parallel_loop3A_350 : vector<16xi32>
        %parallel_loop3A_352 = arith.constant 65535 : i32
        %parallel_loop3A_353 = vector.broadcast %parallel_loop3A_352 : i32 to vector<16xi32>
        %parallel_loop3A_354 = arith.andi %parallel_loop3A_345, %parallel_loop3A_353 : vector<16xi32>
        %parallel_loop3A_355 = arith.constant 16 : i32
        %parallel_loop3A_356 = vector.broadcast %parallel_loop3A_355 : i32 to vector<16xi32>
        %parallel_loop3A_357 = arith.shrui %parallel_loop3A_345, %parallel_loop3A_356 : vector<16xi32>
        %parallel_loop3A_358 = arith.constant 8 : i32
        %parallel_loop3A_359 = arith.muli %parallel_loop3A_62, %parallel_loop3A_358 : i32
        %parallel_loop3A_360 = arith.constant 0 : i32
        %parallel_loop3A_361 = arith.addi %parallel_loop3A_359, %parallel_loop3A_360 : i32
        %parallel_loop3A_362 = arith.constant 0 : i32
        %parallel_loop3A_363 = tpu.memref_slice %arg5[%parallel_loop3A_361, %parallel_loop3A_362] : memref<32x2048xf32, #tpu.memory_space<vmem>> -> memref<1x2048xf32, #tpu.memory_space<vmem>>
        %parallel_loop3A_364 = tpu.memref_squeeze %parallel_loop3A_363 : memref<1x2048xf32, #tpu.memory_space<vmem>> -> memref<2048xf32, #tpu.memory_space<vmem>>
        %parallel_loop3A_365 = tpu.vector_load_idx %parallel_loop3A_364[%parallel_loop3A_348] : memref<2048xf32, #tpu.memory_space<vmem>>[vector<16xi32>], vector<16xf32>,
        %parallel_loop3A_366 = arith.constant 0 : i32
        %parallel_loop3A_367 = tpu.memref_slice %arg5[%parallel_loop3A_361, %parallel_loop3A_366] : memref<32x2048xf32, #tpu.memory_space<vmem>> -> memref<1x2048xf32, #tpu.memory_space<vmem>>
        %parallel_loop3A_368 = tpu.memref_squeeze %parallel_loop3A_367 : memref<1x2048xf32, #tpu.memory_space<vmem>> -> memref<2048xf32, #tpu.memory_space<vmem>>
        %parallel_loop3A_369 = tpu.vector_load_idx %parallel_loop3A_368[%parallel_loop3A_351] : memref<2048xf32, #tpu.memory_space<vmem>>[vector<16xi32>], vector<16xf32>,
        %parallel_loop3A_370 = arith.constant 0 : i32
        %parallel_loop3A_371 = tpu.memref_slice %arg5[%parallel_loop3A_361, %parallel_loop3A_370] : memref<32x2048xf32, #tpu.memory_space<vmem>> -> memref<1x2048xf32, #tpu.memory_space<vmem>>
        %parallel_loop3A_372 = tpu.memref_squeeze %parallel_loop3A_371 : memref<1x2048xf32, #tpu.memory_space<vmem>> -> memref<2048xf32, #tpu.memory_space<vmem>>
        %parallel_loop3A_373 = tpu.vector_load_idx %parallel_loop3A_372[%parallel_loop3A_354] : memref<2048xf32, #tpu.memory_space<vmem>>[vector<16xi32>], vector<16xf32>,
        %parallel_loop3A_374 = arith.constant 0 : i32
        %parallel_loop3A_375 = tpu.memref_slice %arg5[%parallel_loop3A_361, %parallel_loop3A_374] : memref<32x2048xf32, #tpu.memory_space<vmem>> -> memref<1x2048xf32, #tpu.memory_space<vmem>>
        %parallel_loop3A_376 = tpu.memref_squeeze %parallel_loop3A_375 : memref<1x2048xf32, #tpu.memory_space<vmem>> -> memref<2048xf32, #tpu.memory_space<vmem>>
        %parallel_loop3A_377 = tpu.vector_load_idx %parallel_loop3A_376[%parallel_loop3A_357] : memref<2048xf32, #tpu.memory_space<vmem>>[vector<16xi32>], vector<16xf32>,
        %parallel_loop3A_378 = arith.mulf %parallel_loop3A_365, %parallel_loop3A_369 : vector<16xf32>
        %parallel_loop3A_379 = arith.mulf %parallel_loop3A_373, %parallel_loop3A_377 : vector<16xf32>
        %parallel_loop3A_380 = arith.mulf %parallel_loop3A_378, %parallel_loop3A_379 : vector<16xf32>
        %parallel_loop3A_381 = arith.constant 1.000000e+02 : f32
        %parallel_loop3A_382 = vector.broadcast %parallel_loop3A_381 : f32 to vector<16xf32>
        %parallel_loop3A_383 = arith.mulf %parallel_loop3A_380, %parallel_loop3A_382 : vector<16xf32>
        %parallel_loop3A_384 = arith.maximumf %scan3A_310, %parallel_loop3A_383 : vector<16xf32>
        %parallel_loop3A_385 = arith.subf %scan3A_310, %parallel_loop3A_384 : vector<16xf32>
        %parallel_loop3A_386 = math.exp %parallel_loop3A_385 : vector<16xf32>
        %parallel_loop3A_387 = arith.mulf %scan3A_318, %parallel_loop3A_386 : vector<16xf32>
        %parallel_loop3A_388 = arith.subf %parallel_loop3A_383, %parallel_loop3A_384 : vector<16xf32>
        %parallel_loop3A_389 = math.exp %parallel_loop3A_388 : vector<16xf32>
        %parallel_loop3A_390 = arith.addf %parallel_loop3A_387, %parallel_loop3A_389 : vector<16xf32>
        %parallel_loop3A_391 = arith.constant 8 : i32
        %parallel_loop3A_392 = arith.muli %parallel_loop3A_62, %parallel_loop3A_391 : i32
        %parallel_loop3A_393 = arith.constant 1 : i32
        %parallel_loop3A_394 = arith.addi %parallel_loop3A_392, %parallel_loop3A_393 : i32
        %parallel_loop3A_395 = arith.constant 0 : i32
        %parallel_loop3A_396 = tpu.memref_slice %arg5[%parallel_loop3A_394, %parallel_loop3A_395] : memref<32x2048xf32, #tpu.memory_space<vmem>> -> memref<1x2048xf32, #tpu.memory_space<vmem>>
        %parallel_loop3A_397 = tpu.memref_squeeze %parallel_loop3A_396 : memref<1x2048xf32, #tpu.memory_space<vmem>> -> memref<2048xf32, #tpu.memory_space<vmem>>
        %parallel_loop3A_398 = tpu.vector_load_idx %parallel_loop3A_397[%parallel_loop3A_348] : memref<2048xf32, #tpu.memory_space<vmem>>[vector<16xi32>], vector<16xf32>,
        %parallel_loop3A_399 = arith.constant 0 : i32
        %parallel_loop3A_400 = tpu.memref_slice %arg5[%parallel_loop3A_394, %parallel_loop3A_399] : memref<32x2048xf32, #tpu.memory_space<vmem>> -> memref<1x2048xf32, #tpu.memory_space<vmem>>
        %parallel_loop3A_401 = tpu.memref_squeeze %parallel_loop3A_400 : memref<1x2048xf32, #tpu.memory_space<vmem>> -> memref<2048xf32, #tpu.memory_space<vmem>>
        %parallel_loop3A_402 = tpu.vector_load_idx %parallel_loop3A_401[%parallel_loop3A_351] : memref<2048xf32, #tpu.memory_space<vmem>>[vector<16xi32>], vector<16xf32>,
        %parallel_loop3A_403 = arith.constant 0 : i32
        %parallel_loop3A_404 = tpu.memref_slice %arg5[%parallel_loop3A_394, %parallel_loop3A_403] : memref<32x2048xf32, #tpu.memory_space<vmem>> -> memref<1x2048xf32, #tpu.memory_space<vmem>>
        %parallel_loop3A_405 = tpu.memref_squeeze %parallel_loop3A_404 : memref<1x2048xf32, #tpu.memory_space<vmem>> -> memref<2048xf32, #tpu.memory_space<vmem>>
        %parallel_loop3A_406 = tpu.vector_load_idx %parallel_loop3A_405[%parallel_loop3A_354] : memref<2048xf32, #tpu.memory_space<vmem>>[vector<16xi32>], vector<16xf32>,
        %parallel_loop3A_407 = arith.constant 0 : i32
        %parallel_loop3A_408 = tpu.memref_slice %arg5[%parallel_loop3A_394, %parallel_loop3A_407] : memref<32x2048xf32, #tpu.memory_space<vmem>> -> memref<1x2048xf32, #tpu.memory_space<vmem>>
        %parallel_loop3A_409 = tpu.memref_squeeze %parallel_loop3A_408 : memref<1x2048xf32, #tpu.memory_space<vmem>> -> memref<2048xf32, #tpu.memory_space<vmem>>
        %parallel_loop3A_410 = tpu.vector_load_idx %parallel_loop3A_409[%parallel_loop3A_357] : memref<2048xf32, #tpu.memory_space<vmem>>[vector<16xi32>], vector<16xf32>,
        %parallel_loop3A_411 = arith.mulf %parallel_loop3A_398, %parallel_loop3A_402 : vector<16xf32>
        %parallel_loop3A_412 = arith.mulf %parallel_loop3A_406, %parallel_loop3A_410 : vector<16xf32>
        %parallel_loop3A_413 = arith.mulf %parallel_loop3A_411, %parallel_loop3A_412 : vector<16xf32>
        %parallel_loop3A_414 = arith.constant 1.000000e+02 : f32
        %parallel_loop3A_415 = vector.broadcast %parallel_loop3A_414 : f32 to vector<16xf32>
        %parallel_loop3A_416 = arith.mulf %parallel_loop3A_413, %parallel_loop3A_415 : vector<16xf32>
        %parallel_loop3A_417 = arith.maximumf %scan3A_311, %parallel_loop3A_416 : vector<16xf32>
        %parallel_loop3A_418 = arith.subf %scan3A_311, %parallel_loop3A_417 : vector<16xf32>
        %parallel_loop3A_419 = math.exp %parallel_loop3A_418 : vector<16xf32>
        %parallel_loop3A_420 = arith.mulf %scan3A_319, %parallel_loop3A_419 : vector<16xf32>
        %parallel_loop3A_421 = arith.subf %parallel_loop3A_416, %parallel_loop3A_417 : vector<16xf32>
        %parallel_loop3A_422 = math.exp %parallel_loop3A_421 : vector<16xf32>
        %parallel_loop3A_423 = arith.addf %parallel_loop3A_420, %parallel_loop3A_422 : vector<16xf32>
        %parallel_loop3A_424 = arith.constant 8 : i32
        %parallel_loop3A_425 = arith.muli %parallel_loop3A_62, %parallel_loop3A_424 : i32
        %parallel_loop3A_426 = arith.constant 2 : i32
        %parallel_loop3A_427 = arith.addi %parallel_loop3A_425, %parallel_loop3A_426 : i32
        %parallel_loop3A_428 = arith.constant 0 : i32
        %parallel_loop3A_429 = tpu.memref_slice %arg5[%parallel_loop3A_427, %parallel_loop3A_428] : memref<32x2048xf32, #tpu.memory_space<vmem>> -> memref<1x2048xf32, #tpu.memory_space<vmem>>
        %parallel_loop3A_430 = tpu.memref_squeeze %parallel_loop3A_429 : memref<1x2048xf32, #tpu.memory_space<vmem>> -> memref<2048xf32, #tpu.memory_space<vmem>>
        %parallel_loop3A_431 = tpu.vector_load_idx %parallel_loop3A_430[%parallel_loop3A_348] : memref<2048xf32, #tpu.memory_space<vmem>>[vector<16xi32>], vector<16xf32>,
        %parallel_loop3A_432 = arith.constant 0 : i32
        %parallel_loop3A_433 = tpu.memref_slice %arg5[%parallel_loop3A_427, %parallel_loop3A_432] : memref<32x2048xf32, #tpu.memory_space<vmem>> -> memref<1x2048xf32, #tpu.memory_space<vmem>>
        %parallel_loop3A_434 = tpu.memref_squeeze %parallel_loop3A_433 : memref<1x2048xf32, #tpu.memory_space<vmem>> -> memref<2048xf32, #tpu.memory_space<vmem>>
        %parallel_loop3A_435 = tpu.vector_load_idx %parallel_loop3A_434[%parallel_loop3A_351] : memref<2048xf32, #tpu.memory_space<vmem>>[vector<16xi32>], vector<16xf32>,
        %parallel_loop3A_436 = arith.constant 0 : i32
        %parallel_loop3A_437 = tpu.memref_slice %arg5[%parallel_loop3A_427, %parallel_loop3A_436] : memref<32x2048xf32, #tpu.memory_space<vmem>> -> memref<1x2048xf32, #tpu.memory_space<vmem>>
        %parallel_loop3A_438 = tpu.memref_squeeze %parallel_loop3A_437 : memref<1x2048xf32, #tpu.memory_space<vmem>> -> memref<2048xf32, #tpu.memory_space<vmem>>
        %parallel_loop3A_439 = tpu.vector_load_idx %parallel_loop3A_438[%parallel_loop3A_354] : memref<2048xf32, #tpu.memory_space<vmem>>[vector<16xi32>], vector<16xf32>,
        %parallel_loop3A_440 = arith.constant 0 : i32
        %parallel_loop3A_441 = tpu.memref_slice %arg5[%parallel_loop3A_427, %parallel_loop3A_440] : memref<32x2048xf32, #tpu.memory_space<vmem>> -> memref<1x2048xf32, #tpu.memory_space<vmem>>
        %parallel_loop3A_442 = tpu.memref_squeeze %parallel_loop3A_441 : memref<1x2048xf32, #tpu.memory_space<vmem>> -> memref<2048xf32, #tpu.memory_space<vmem>>
        %parallel_loop3A_443 = tpu.vector_load_idx %parallel_loop3A_442[%parallel_loop3A_357] : memref<2048xf32, #tpu.memory_space<vmem>>[vector<16xi32>], vector<16xf32>,
        %parallel_loop3A_444 = arith.mulf %parallel_loop3A_431, %parallel_loop3A_435 : vector<16xf32>
        %parallel_loop3A_445 = arith.mulf %parallel_loop3A_439, %parallel_loop3A_443 : vector<16xf32>
        %parallel_loop3A_446 = arith.mulf %parallel_loop3A_444, %parallel_loop3A_445 : vector<16xf32>
        %parallel_loop3A_447 = arith.constant 1.000000e+02 : f32
        %parallel_loop3A_448 = vector.broadcast %parallel_loop3A_447 : f32 to vector<16xf32>
        %parallel_loop3A_449 = arith.mulf %parallel_loop3A_446, %parallel_loop3A_448 : vector<16xf32>
        %parallel_loop3A_450 = arith.maximumf %scan3A_312, %parallel_loop3A_449 : vector<16xf32>
        %parallel_loop3A_451 = arith.subf %scan3A_312, %parallel_loop3A_450 : vector<16xf32>
        %parallel_loop3A_452 = math.exp %parallel_loop3A_451 : vector<16xf32>
        %parallel_loop3A_453 = arith.mulf %scan3A_320, %parallel_loop3A_452 : vector<16xf32>
        %parallel_loop3A_454 = arith.subf %parallel_loop3A_449, %parallel_loop3A_450 : vector<16xf32>
        %parallel_loop3A_455 = math.exp %parallel_loop3A_454 : vector<16xf32>
        %parallel_loop3A_456 = arith.addf %parallel_loop3A_453, %parallel_loop3A_455 : vector<16xf32>
        %parallel_loop3A_457 = arith.constant 8 : i32
        %parallel_loop3A_458 = arith.muli %parallel_loop3A_62, %parallel_loop3A_457 : i32
        %parallel_loop3A_459 = arith.constant 3 : i32
        %parallel_loop3A_460 = arith.addi %parallel_loop3A_458, %parallel_loop3A_459 : i32
        %parallel_loop3A_461 = arith.constant 0 : i32
        %parallel_loop3A_462 = tpu.memref_slice %arg5[%parallel_loop3A_460, %parallel_loop3A_461] : memref<32x2048xf32, #tpu.memory_space<vmem>> -> memref<1x2048xf32, #tpu.memory_space<vmem>>
        %parallel_loop3A_463 = tpu.memref_squeeze %parallel_loop3A_462 : memref<1x2048xf32, #tpu.memory_space<vmem>> -> memref<2048xf32, #tpu.memory_space<vmem>>
        %parallel_loop3A_464 = tpu.vector_load_idx %parallel_loop3A_463[%parallel_loop3A_348] : memref<2048xf32, #tpu.memory_space<vmem>>[vector<16xi32>], vector<16xf32>,
        %parallel_loop3A_465 = arith.constant 0 : i32
        %parallel_loop3A_466 = tpu.memref_slice %arg5[%parallel_loop3A_460, %parallel_loop3A_465] : memref<32x2048xf32, #tpu.memory_space<vmem>> -> memref<1x2048xf32, #tpu.memory_space<vmem>>
        %parallel_loop3A_467 = tpu.memref_squeeze %parallel_loop3A_466 : memref<1x2048xf32, #tpu.memory_space<vmem>> -> memref<2048xf32, #tpu.memory_space<vmem>>
        %parallel_loop3A_468 = tpu.vector_load_idx %parallel_loop3A_467[%parallel_loop3A_351] : memref<2048xf32, #tpu.memory_space<vmem>>[vector<16xi32>], vector<16xf32>,
        %parallel_loop3A_469 = arith.constant 0 : i32
        %parallel_loop3A_470 = tpu.memref_slice %arg5[%parallel_loop3A_460, %parallel_loop3A_469] : memref<32x2048xf32, #tpu.memory_space<vmem>> -> memref<1x2048xf32, #tpu.memory_space<vmem>>
        %parallel_loop3A_471 = tpu.memref_squeeze %parallel_loop3A_470 : memref<1x2048xf32, #tpu.memory_space<vmem>> -> memref<2048xf32, #tpu.memory_space<vmem>>
        %parallel_loop3A_472 = tpu.vector_load_idx %parallel_loop3A_471[%parallel_loop3A_354] : memref<2048xf32, #tpu.memory_space<vmem>>[vector<16xi32>], vector<16xf32>,
        %parallel_loop3A_473 = arith.constant 0 : i32
        %parallel_loop3A_474 = tpu.memref_slice %arg5[%parallel_loop3A_460, %parallel_loop3A_473] : memref<32x2048xf32, #tpu.memory_space<vmem>> -> memref<1x2048xf32, #tpu.memory_space<vmem>>
        %parallel_loop3A_475 = tpu.memref_squeeze %parallel_loop3A_474 : memref<1x2048xf32, #tpu.memory_space<vmem>> -> memref<2048xf32, #tpu.memory_space<vmem>>
        %parallel_loop3A_476 = tpu.vector_load_idx %parallel_loop3A_475[%parallel_loop3A_357] : memref<2048xf32, #tpu.memory_space<vmem>>[vector<16xi32>], vector<16xf32>,
        %parallel_loop3A_477 = arith.mulf %parallel_loop3A_464, %parallel_loop3A_468 : vector<16xf32>
        %parallel_loop3A_478 = arith.mulf %parallel_loop3A_472, %parallel_loop3A_476 : vector<16xf32>
        %parallel_loop3A_479 = arith.mulf %parallel_loop3A_477, %parallel_loop3A_478 : vector<16xf32>
        %parallel_loop3A_480 = arith.constant 1.000000e+02 : f32
        %parallel_loop3A_481 = vector.broadcast %parallel_loop3A_480 : f32 to vector<16xf32>
        %parallel_loop3A_482 = arith.mulf %parallel_loop3A_479, %parallel_loop3A_481 : vector<16xf32>
        %parallel_loop3A_483 = arith.maximumf %scan3A_313, %parallel_loop3A_482 : vector<16xf32>
        %parallel_loop3A_484 = arith.subf %scan3A_313, %parallel_loop3A_483 : vector<16xf32>
        %parallel_loop3A_485 = math.exp %parallel_loop3A_484 : vector<16xf32>
        %parallel_loop3A_486 = arith.mulf %scan3A_321, %parallel_loop3A_485 : vector<16xf32>
        %parallel_loop3A_487 = arith.subf %parallel_loop3A_482, %parallel_loop3A_483 : vector<16xf32>
        %parallel_loop3A_488 = math.exp %parallel_loop3A_487 : vector<16xf32>
        %parallel_loop3A_489 = arith.addf %parallel_loop3A_486, %parallel_loop3A_488 : vector<16xf32>
        %parallel_loop3A_490 = arith.constant 8 : i32
        %parallel_loop3A_491 = arith.muli %parallel_loop3A_62, %parallel_loop3A_490 : i32
        %parallel_loop3A_492 = arith.constant 4 : i32
        %parallel_loop3A_493 = arith.addi %parallel_loop3A_491, %parallel_loop3A_492 : i32
        %parallel_loop3A_494 = arith.constant 0 : i32
        %parallel_loop3A_495 = tpu.memref_slice %arg5[%parallel_loop3A_493, %parallel_loop3A_494] : memref<32x2048xf32, #tpu.memory_space<vmem>> -> memref<1x2048xf32, #tpu.memory_space<vmem>>
        %parallel_loop3A_496 = tpu.memref_squeeze %parallel_loop3A_495 : memref<1x2048xf32, #tpu.memory_space<vmem>> -> memref<2048xf32, #tpu.memory_space<vmem>>
        %parallel_loop3A_497 = tpu.vector_load_idx %parallel_loop3A_496[%parallel_loop3A_348] : memref<2048xf32, #tpu.memory_space<vmem>>[vector<16xi32>], vector<16xf32>,
        %parallel_loop3A_498 = arith.constant 0 : i32
        %parallel_loop3A_499 = tpu.memref_slice %arg5[%parallel_loop3A_493, %parallel_loop3A_498] : memref<32x2048xf32, #tpu.memory_space<vmem>> -> memref<1x2048xf32, #tpu.memory_space<vmem>>
        %parallel_loop3A_500 = tpu.memref_squeeze %parallel_loop3A_499 : memref<1x2048xf32, #tpu.memory_space<vmem>> -> memref<2048xf32, #tpu.memory_space<vmem>>
        %parallel_loop3A_501 = tpu.vector_load_idx %parallel_loop3A_500[%parallel_loop3A_351] : memref<2048xf32, #tpu.memory_space<vmem>>[vector<16xi32>], vector<16xf32>,
        %parallel_loop3A_502 = arith.constant 0 : i32
        %parallel_loop3A_503 = tpu.memref_slice %arg5[%parallel_loop3A_493, %parallel_loop3A_502] : memref<32x2048xf32, #tpu.memory_space<vmem>> -> memref<1x2048xf32, #tpu.memory_space<vmem>>
        %parallel_loop3A_504 = tpu.memref_squeeze %parallel_loop3A_503 : memref<1x2048xf32, #tpu.memory_space<vmem>> -> memref<2048xf32, #tpu.memory_space<vmem>>
        %parallel_loop3A_505 = tpu.vector_load_idx %parallel_loop3A_504[%parallel_loop3A_354] : memref<2048xf32, #tpu.memory_space<vmem>>[vector<16xi32>], vector<16xf32>,
        %parallel_loop3A_506 = arith.constant 0 : i32
        %parallel_loop3A_507 = tpu.memref_slice %arg5[%parallel_loop3A_493, %parallel_loop3A_506] : memref<32x2048xf32, #tpu.memory_space<vmem>> -> memref<1x2048xf32, #tpu.memory_space<vmem>>
        %parallel_loop3A_508 = tpu.memref_squeeze %parallel_loop3A_507 : memref<1x2048xf32, #tpu.memory_space<vmem>> -> memref<2048xf32, #tpu.memory_space<vmem>>
        %parallel_loop3A_509 = tpu.vector_load_idx %parallel_loop3A_508[%parallel_loop3A_357] : memref<2048xf32, #tpu.memory_space<vmem>>[vector<16xi32>], vector<16xf32>,
        %parallel_loop3A_510 = arith.mulf %parallel_loop3A_497, %parallel_loop3A_501 : vector<16xf32>
        %parallel_loop3A_511 = arith.mulf %parallel_loop3A_505, %parallel_loop3A_509 : vector<16xf32>
        %parallel_loop3A_512 = arith.mulf %parallel_loop3A_510, %parallel_loop3A_511 : vector<16xf32>
        %parallel_loop3A_513 = arith.constant 1.000000e+02 : f32
        %parallel_loop3A_514 = vector.broadcast %parallel_loop3A_513 : f32 to vector<16xf32>
        %parallel_loop3A_515 = arith.mulf %parallel_loop3A_512, %parallel_loop3A_514 : vector<16xf32>
        %parallel_loop3A_516 = arith.maximumf %scan3A_314, %parallel_loop3A_515 : vector<16xf32>
        %parallel_loop3A_517 = arith.subf %scan3A_314, %parallel_loop3A_516 : vector<16xf32>
        %parallel_loop3A_518 = math.exp %parallel_loop3A_517 : vector<16xf32>
        %parallel_loop3A_519 = arith.mulf %scan3A_322, %parallel_loop3A_518 : vector<16xf32>
        %parallel_loop3A_520 = arith.subf %parallel_loop3A_515, %parallel_loop3A_516 : vector<16xf32>
        %parallel_loop3A_521 = math.exp %parallel_loop3A_520 : vector<16xf32>
        %parallel_loop3A_522 = arith.addf %parallel_loop3A_519, %parallel_loop3A_521 : vector<16xf32>
        %parallel_loop3A_523 = arith.constant 8 : i32
        %parallel_loop3A_524 = arith.muli %parallel_loop3A_62, %parallel_loop3A_523 : i32
        %parallel_loop3A_525 = arith.constant 5 : i32
        %parallel_loop3A_526 = arith.addi %parallel_loop3A_524, %parallel_loop3A_525 : i32
        %parallel_loop3A_527 = arith.constant 0 : i32
        %parallel_loop3A_528 = tpu.memref_slice %arg5[%parallel_loop3A_526, %parallel_loop3A_527] : memref<32x2048xf32, #tpu.memory_space<vmem>> -> memref<1x2048xf32, #tpu.memory_space<vmem>>
        %parallel_loop3A_529 = tpu.memref_squeeze %parallel_loop3A_528 : memref<1x2048xf32, #tpu.memory_space<vmem>> -> memref<2048xf32, #tpu.memory_space<vmem>>
        %parallel_loop3A_530 = tpu.vector_load_idx %parallel_loop3A_529[%parallel_loop3A_348] : memref<2048xf32, #tpu.memory_space<vmem>>[vector<16xi32>], vector<16xf32>,
        %parallel_loop3A_531 = arith.constant 0 : i32
        %parallel_loop3A_532 = tpu.memref_slice %arg5[%parallel_loop3A_526, %parallel_loop3A_531] : memref<32x2048xf32, #tpu.memory_space<vmem>> -> memref<1x2048xf32, #tpu.memory_space<vmem>>
        %parallel_loop3A_533 = tpu.memref_squeeze %parallel_loop3A_532 : memref<1x2048xf32, #tpu.memory_space<vmem>> -> memref<2048xf32, #tpu.memory_space<vmem>>
        %parallel_loop3A_534 = tpu.vector_load_idx %parallel_loop3A_533[%parallel_loop3A_351] : memref<2048xf32, #tpu.memory_space<vmem>>[vector<16xi32>], vector<16xf32>,
        %parallel_loop3A_535 = arith.constant 0 : i32
        %parallel_loop3A_536 = tpu.memref_slice %arg5[%parallel_loop3A_526, %parallel_loop3A_535] : memref<32x2048xf32, #tpu.memory_space<vmem>> -> memref<1x2048xf32, #tpu.memory_space<vmem>>
        %parallel_loop3A_537 = tpu.memref_squeeze %parallel_loop3A_536 : memref<1x2048xf32, #tpu.memory_space<vmem>> -> memref<2048xf32, #tpu.memory_space<vmem>>
        %parallel_loop3A_538 = tpu.vector_load_idx %parallel_loop3A_537[%parallel_loop3A_354] : memref<2048xf32, #tpu.memory_space<vmem>>[vector<16xi32>], vector<16xf32>,
        %parallel_loop3A_539 = arith.constant 0 : i32
        %parallel_loop3A_540 = tpu.memref_slice %arg5[%parallel_loop3A_526, %parallel_loop3A_539] : memref<32x2048xf32, #tpu.memory_space<vmem>> -> memref<1x2048xf32, #tpu.memory_space<vmem>>
        %parallel_loop3A_541 = tpu.memref_squeeze %parallel_loop3A_540 : memref<1x2048xf32, #tpu.memory_space<vmem>> -> memref<2048xf32, #tpu.memory_space<vmem>>
        %parallel_loop3A_542 = tpu.vector_load_idx %parallel_loop3A_541[%parallel_loop3A_357] : memref<2048xf32, #tpu.memory_space<vmem>>[vector<16xi32>], vector<16xf32>,
        %parallel_loop3A_543 = arith.mulf %parallel_loop3A_530, %parallel_loop3A_534 : vector<16xf32>
        %parallel_loop3A_544 = arith.mulf %parallel_loop3A_538, %parallel_loop3A_542 : vector<16xf32>
        %parallel_loop3A_545 = arith.mulf %parallel_loop3A_543, %parallel_loop3A_544 : vector<16xf32>
        %parallel_loop3A_546 = arith.constant 1.000000e+02 : f32
        %parallel_loop3A_547 = vector.broadcast %parallel_loop3A_546 : f32 to vector<16xf32>
        %parallel_loop3A_548 = arith.mulf %parallel_loop3A_545, %parallel_loop3A_547 : vector<16xf32>
        %parallel_loop3A_549 = arith.maximumf %scan3A_315, %parallel_loop3A_548 : vector<16xf32>
        %parallel_loop3A_550 = arith.subf %scan3A_315, %parallel_loop3A_549 : vector<16xf32>
        %parallel_loop3A_551 = math.exp %parallel_loop3A_550 : vector<16xf32>
        %parallel_loop3A_552 = arith.mulf %scan3A_323, %parallel_loop3A_551 : vector<16xf32>
        %parallel_loop3A_553 = arith.subf %parallel_loop3A_548, %parallel_loop3A_549 : vector<16xf32>
        %parallel_loop3A_554 = math.exp %parallel_loop3A_553 : vector<16xf32>
        %parallel_loop3A_555 = arith.addf %parallel_loop3A_552, %parallel_loop3A_554 : vector<16xf32>
        %parallel_loop3A_556 = arith.constant 8 : i32
        %parallel_loop3A_557 = arith.muli %parallel_loop3A_62, %parallel_loop3A_556 : i32
        %parallel_loop3A_558 = arith.constant 6 : i32
        %parallel_loop3A_559 = arith.addi %parallel_loop3A_557, %parallel_loop3A_558 : i32
        %parallel_loop3A_560 = arith.constant 0 : i32
        %parallel_loop3A_561 = tpu.memref_slice %arg5[%parallel_loop3A_559, %parallel_loop3A_560] : memref<32x2048xf32, #tpu.memory_space<vmem>> -> memref<1x2048xf32, #tpu.memory_space<vmem>>
        %parallel_loop3A_562 = tpu.memref_squeeze %parallel_loop3A_561 : memref<1x2048xf32, #tpu.memory_space<vmem>> -> memref<2048xf32, #tpu.memory_space<vmem>>
        %parallel_loop3A_563 = tpu.vector_load_idx %parallel_loop3A_562[%parallel_loop3A_348] : memref<2048xf32, #tpu.memory_space<vmem>>[vector<16xi32>], vector<16xf32>,
        %parallel_loop3A_564 = arith.constant 0 : i32
        %parallel_loop3A_565 = tpu.memref_slice %arg5[%parallel_loop3A_559, %parallel_loop3A_564] : memref<32x2048xf32, #tpu.memory_space<vmem>> -> memref<1x2048xf32, #tpu.memory_space<vmem>>
        %parallel_loop3A_566 = tpu.memref_squeeze %parallel_loop3A_565 : memref<1x2048xf32, #tpu.memory_space<vmem>> -> memref<2048xf32, #tpu.memory_space<vmem>>
        %parallel_loop3A_567 = tpu.vector_load_idx %parallel_loop3A_566[%parallel_loop3A_351] : memref<2048xf32, #tpu.memory_space<vmem>>[vector<16xi32>], vector<16xf32>,
        %parallel_loop3A_568 = arith.constant 0 : i32
        %parallel_loop3A_569 = tpu.memref_slice %arg5[%parallel_loop3A_559, %parallel_loop3A_568] : memref<32x2048xf32, #tpu.memory_space<vmem>> -> memref<1x2048xf32, #tpu.memory_space<vmem>>
        %parallel_loop3A_570 = tpu.memref_squeeze %parallel_loop3A_569 : memref<1x2048xf32, #tpu.memory_space<vmem>> -> memref<2048xf32, #tpu.memory_space<vmem>>
        %parallel_loop3A_571 = tpu.vector_load_idx %parallel_loop3A_570[%parallel_loop3A_354] : memref<2048xf32, #tpu.memory_space<vmem>>[vector<16xi32>], vector<16xf32>,
        %parallel_loop3A_572 = arith.constant 0 : i32
        %parallel_loop3A_573 = tpu.memref_slice %arg5[%parallel_loop3A_559, %parallel_loop3A_572] : memref<32x2048xf32, #tpu.memory_space<vmem>> -> memref<1x2048xf32, #tpu.memory_space<vmem>>
        %parallel_loop3A_574 = tpu.memref_squeeze %parallel_loop3A_573 : memref<1x2048xf32, #tpu.memory_space<vmem>> -> memref<2048xf32, #tpu.memory_space<vmem>>
        %parallel_loop3A_575 = tpu.vector_load_idx %parallel_loop3A_574[%parallel_loop3A_357] : memref<2048xf32, #tpu.memory_space<vmem>>[vector<16xi32>], vector<16xf32>,
        %parallel_loop3A_576 = arith.mulf %parallel_loop3A_563, %parallel_loop3A_567 : vector<16xf32>
        %parallel_loop3A_577 = arith.mulf %parallel_loop3A_571, %parallel_loop3A_575 : vector<16xf32>
        %parallel_loop3A_578 = arith.mulf %parallel_loop3A_576, %parallel_loop3A_577 : vector<16xf32>
        %parallel_loop3A_579 = arith.constant 1.000000e+02 : f32
        %parallel_loop3A_580 = vector.broadcast %parallel_loop3A_579 : f32 to vector<16xf32>
        %parallel_loop3A_581 = arith.mulf %parallel_loop3A_578, %parallel_loop3A_580 : vector<16xf32>
        %parallel_loop3A_582 = arith.maximumf %scan3A_316, %parallel_loop3A_581 : vector<16xf32>
        %parallel_loop3A_583 = arith.subf %scan3A_316, %parallel_loop3A_582 : vector<16xf32>
        %parallel_loop3A_584 = math.exp %parallel_loop3A_583 : vector<16xf32>
        %parallel_loop3A_585 = arith.mulf %scan3A_324, %parallel_loop3A_584 : vector<16xf32>
        %parallel_loop3A_586 = arith.subf %parallel_loop3A_581, %parallel_loop3A_582 : vector<16xf32>
        %parallel_loop3A_587 = math.exp %parallel_loop3A_586 : vector<16xf32>
        %parallel_loop3A_588 = arith.addf %parallel_loop3A_585, %parallel_loop3A_587 : vector<16xf32>
        %parallel_loop3A_589 = arith.constant 8 : i32
        %parallel_loop3A_590 = arith.muli %parallel_loop3A_62, %parallel_loop3A_589 : i32
        %parallel_loop3A_591 = arith.constant 7 : i32
        %parallel_loop3A_592 = arith.addi %parallel_loop3A_590, %parallel_loop3A_591 : i32
        %parallel_loop3A_593 = arith.constant 0 : i32
        %parallel_loop3A_594 = tpu.memref_slice %arg5[%parallel_loop3A_592, %parallel_loop3A_593] : memref<32x2048xf32, #tpu.memory_space<vmem>> -> memref<1x2048xf32, #tpu.memory_space<vmem>>
        %parallel_loop3A_595 = tpu.memref_squeeze %parallel_loop3A_594 : memref<1x2048xf32, #tpu.memory_space<vmem>> -> memref<2048xf32, #tpu.memory_space<vmem>>
        %parallel_loop3A_596 = tpu.vector_load_idx %parallel_loop3A_595[%parallel_loop3A_348] : memref<2048xf32, #tpu.memory_space<vmem>>[vector<16xi32>], vector<16xf32>,
        %parallel_loop3A_597 = arith.constant 0 : i32
        %parallel_loop3A_598 = tpu.memref_slice %arg5[%parallel_loop3A_592, %parallel_loop3A_597] : memref<32x2048xf32, #tpu.memory_space<vmem>> -> memref<1x2048xf32, #tpu.memory_space<vmem>>
        %parallel_loop3A_599 = tpu.memref_squeeze %parallel_loop3A_598 : memref<1x2048xf32, #tpu.memory_space<vmem>> -> memref<2048xf32, #tpu.memory_space<vmem>>
        %parallel_loop3A_600 = tpu.vector_load_idx %parallel_loop3A_599[%parallel_loop3A_351] : memref<2048xf32, #tpu.memory_space<vmem>>[vector<16xi32>], vector<16xf32>,
        %parallel_loop3A_601 = arith.constant 0 : i32
        %parallel_loop3A_602 = tpu.memref_slice %arg5[%parallel_loop3A_592, %parallel_loop3A_601] : memref<32x2048xf32, #tpu.memory_space<vmem>> -> memref<1x2048xf32, #tpu.memory_space<vmem>>
        %parallel_loop3A_603 = tpu.memref_squeeze %parallel_loop3A_602 : memref<1x2048xf32, #tpu.memory_space<vmem>> -> memref<2048xf32, #tpu.memory_space<vmem>>
        %parallel_loop3A_604 = tpu.vector_load_idx %parallel_loop3A_603[%parallel_loop3A_354] : memref<2048xf32, #tpu.memory_space<vmem>>[vector<16xi32>], vector<16xf32>,
        %parallel_loop3A_605 = arith.constant 0 : i32
        %parallel_loop3A_606 = tpu.memref_slice %arg5[%parallel_loop3A_592, %parallel_loop3A_605] : memref<32x2048xf32, #tpu.memory_space<vmem>> -> memref<1x2048xf32, #tpu.memory_space<vmem>>
        %parallel_loop3A_607 = tpu.memref_squeeze %parallel_loop3A_606 : memref<1x2048xf32, #tpu.memory_space<vmem>> -> memref<2048xf32, #tpu.memory_space<vmem>>
        %parallel_loop3A_608 = tpu.vector_load_idx %parallel_loop3A_607[%parallel_loop3A_357] : memref<2048xf32, #tpu.memory_space<vmem>>[vector<16xi32>], vector<16xf32>,
        %parallel_loop3A_609 = arith.mulf %parallel_loop3A_596, %parallel_loop3A_600 : vector<16xf32>
        %parallel_loop3A_610 = arith.mulf %parallel_loop3A_604, %parallel_loop3A_608 : vector<16xf32>
        %parallel_loop3A_611 = arith.mulf %parallel_loop3A_609, %parallel_loop3A_610 : vector<16xf32>
        %parallel_loop3A_612 = arith.constant 1.000000e+02 : f32
        %parallel_loop3A_613 = vector.broadcast %parallel_loop3A_612 : f32 to vector<16xf32>
        %parallel_loop3A_614 = arith.mulf %parallel_loop3A_611, %parallel_loop3A_613 : vector<16xf32>
        %parallel_loop3A_615 = arith.maximumf %scan3A_317, %parallel_loop3A_614 : vector<16xf32>
        %parallel_loop3A_616 = arith.subf %scan3A_317, %parallel_loop3A_615 : vector<16xf32>
        %parallel_loop3A_617 = math.exp %parallel_loop3A_616 : vector<16xf32>
        %parallel_loop3A_618 = arith.mulf %scan3A_325, %parallel_loop3A_617 : vector<16xf32>
        %parallel_loop3A_619 = arith.subf %parallel_loop3A_614, %parallel_loop3A_615 : vector<16xf32>
        %parallel_loop3A_620 = math.exp %parallel_loop3A_619 : vector<16xf32>
        %parallel_loop3A_621 = arith.addf %parallel_loop3A_618, %parallel_loop3A_620 : vector<16xf32>
        scf.yield %parallel_loop3A_384, %parallel_loop3A_417, %parallel_loop3A_450, %parallel_loop3A_483, %parallel_loop3A_516, %parallel_loop3A_549, %parallel_loop3A_582, %parallel_loop3A_615, %parallel_loop3A_390, %parallel_loop3A_423, %parallel_loop3A_456, %parallel_loop3A_489, %parallel_loop3A_522, %parallel_loop3A_555, %parallel_loop3A_588, %parallel_loop3A_621 : vector<16xf32>, vector<16xf32>, vector<16xf32>, vector<16xf32>, vector<16xf32>, vector<16xf32>, vector<16xf32>, vector<16xf32>, vector<16xf32>, vector<16xf32>, vector<16xf32>, vector<16xf32>, vector<16xf32>, vector<16xf32>, vector<16xf32>, vector<16xf32>
      }
      %parallel_loop3A_68 = arith.constant 64 : i32
      %parallel_loop3A_69 = vector.bitcast %parallel_loop3A_67#8 : vector<16xf32> to vector<16xi32>
      %parallel_loop3A_70 = arith.sitofp %parallel_loop3A_69 : vector<16xi32> to vector<16xf32>
      %parallel_loop3A_71 = arith.constant 8.26295832E-8 : f32
      %parallel_loop3A_72 = vector.broadcast %parallel_loop3A_71 : f32 to vector<16xf32>
      %parallel_loop3A_73 = arith.mulf %parallel_loop3A_70, %parallel_loop3A_72 : vector<16xf32>
      %parallel_loop3A_74 = arith.constant 87.9899673 : f32
      %parallel_loop3A_75 = vector.broadcast %parallel_loop3A_74 : f32 to vector<16xf32>
      %parallel_loop3A_76 = arith.subf %parallel_loop3A_73, %parallel_loop3A_75 : vector<16xf32>
      %parallel_loop3A_77 = arith.constant 1.000000e+00 : f32
      %parallel_loop3A_78 = vector.broadcast %parallel_loop3A_77 : f32 to vector<16xf32>
      %parallel_loop3A_79 = arith.subf %parallel_loop3A_76, %parallel_loop3A_78 : vector<16xf32>
      %parallel_loop3A_80 = arith.constant 0.000000e+00 : f32
      %parallel_loop3A_81 = vector.broadcast %parallel_loop3A_80 : f32 to vector<16xf32>
      %parallel_loop3A_82 = arith.subf %parallel_loop3A_81, %parallel_loop3A_76 : vector<16xf32>
      %parallel_loop3A_83 = math.exp %parallel_loop3A_82 : vector<16xf32>
      %parallel_loop3A_84 = arith.mulf %parallel_loop3A_67#8, %parallel_loop3A_83 : vector<16xf32>
      %parallel_loop3A_85 = arith.addf %parallel_loop3A_79, %parallel_loop3A_84 : vector<16xf32>
      %parallel_loop3A_86 = arith.addf %parallel_loop3A_67#0, %parallel_loop3A_85 : vector<16xf32>
      %parallel_loop3A_87 = arith.constant 0.00999999977 : f32
      %parallel_loop3A_88 = vector.broadcast %parallel_loop3A_87 : f32 to vector<16xf32>
      %parallel_loop3A_89 = arith.mulf %parallel_loop3A_86, %parallel_loop3A_88 : vector<16xf32>
      %parallel_loop3A_90 = arith.constant 8 : i32
      %parallel_loop3A_91 = arith.muli %parallel_loop3A_62, %parallel_loop3A_90 : i32
      %parallel_loop3A_92 = arith.constant 0 : i32
      %parallel_loop3A_93 = arith.addi %parallel_loop3A_91, %parallel_loop3A_92 : i32
      %parallel_loop3A_94 = arith.constant 16 : i32
      %parallel_loop3A_95 = arith.muli %parallel_loop3A_59, %parallel_loop3A_94 : i32
      %parallel_loop3A_96 = arith.index_cast %parallel_loop3A_93 : i32 to index
      %parallel_loop3A_97 = arith.index_cast %parallel_loop3A_95 : i32 to index
      %parallel_loop3A_98 = tpu.vector_load %arg8[%parallel_loop3A_96, %parallel_loop3A_97] {strides = array<i32>} : memref<32x128xf32, #tpu.memory_space<vmem>>, vector<16xf32>,
      tpu.vector_store %arg8[%parallel_loop3A_96, %parallel_loop3A_97], %parallel_loop3A_89 {strides = array<i32>} : memref<32x128xf32, #tpu.memory_space<vmem>>, vector<16xf32>,
      %parallel_loop3A_99 = vector.bitcast %parallel_loop3A_67#9 : vector<16xf32> to vector<16xi32>
      %parallel_loop3A_100 = arith.sitofp %parallel_loop3A_99 : vector<16xi32> to vector<16xf32>
      %parallel_loop3A_101 = arith.constant 8.26295832E-8 : f32
      %parallel_loop3A_102 = vector.broadcast %parallel_loop3A_101 : f32 to vector<16xf32>
      %parallel_loop3A_103 = arith.mulf %parallel_loop3A_100, %parallel_loop3A_102 : vector<16xf32>
      %parallel_loop3A_104 = arith.constant 87.9899673 : f32
      %parallel_loop3A_105 = vector.broadcast %parallel_loop3A_104 : f32 to vector<16xf32>
      %parallel_loop3A_106 = arith.subf %parallel_loop3A_103, %parallel_loop3A_105 : vector<16xf32>
      %parallel_loop3A_107 = arith.constant 1.000000e+00 : f32
      %parallel_loop3A_108 = vector.broadcast %parallel_loop3A_107 : f32 to vector<16xf32>
      %parallel_loop3A_109 = arith.subf %parallel_loop3A_106, %parallel_loop3A_108 : vector<16xf32>
      %parallel_loop3A_110 = arith.constant 0.000000e+00 : f32
      %parallel_loop3A_111 = vector.broadcast %parallel_loop3A_110 : f32 to vector<16xf32>
      %parallel_loop3A_112 = arith.subf %parallel_loop3A_111, %parallel_loop3A_106 : vector<16xf32>
      %parallel_loop3A_113 = math.exp %parallel_loop3A_112 : vector<16xf32>
      %parallel_loop3A_114 = arith.mulf %parallel_loop3A_67#9, %parallel_loop3A_113 : vector<16xf32>
      %parallel_loop3A_115 = arith.addf %parallel_loop3A_109, %parallel_loop3A_114 : vector<16xf32>
      %parallel_loop3A_116 = arith.addf %parallel_loop3A_67#1, %parallel_loop3A_115 : vector<16xf32>
      %parallel_loop3A_117 = arith.constant 0.00999999977 : f32
      %parallel_loop3A_118 = vector.broadcast %parallel_loop3A_117 : f32 to vector<16xf32>
      %parallel_loop3A_119 = arith.mulf %parallel_loop3A_116, %parallel_loop3A_118 : vector<16xf32>
      %parallel_loop3A_120 = arith.constant 8 : i32
      %parallel_loop3A_121 = arith.muli %parallel_loop3A_62, %parallel_loop3A_120 : i32
      %parallel_loop3A_122 = arith.constant 1 : i32
      %parallel_loop3A_123 = arith.addi %parallel_loop3A_121, %parallel_loop3A_122 : i32
      %parallel_loop3A_124 = arith.constant 16 : i32
      %parallel_loop3A_125 = arith.muli %parallel_loop3A_59, %parallel_loop3A_124 : i32
      %parallel_loop3A_126 = arith.index_cast %parallel_loop3A_123 : i32 to index
      %parallel_loop3A_127 = arith.index_cast %parallel_loop3A_125 : i32 to index
      %parallel_loop3A_128 = tpu.vector_load %arg8[%parallel_loop3A_126, %parallel_loop3A_127] {strides = array<i32>} : memref<32x128xf32, #tpu.memory_space<vmem>>, vector<16xf32>,
      tpu.vector_store %arg8[%parallel_loop3A_126, %parallel_loop3A_127], %parallel_loop3A_119 {strides = array<i32>} : memref<32x128xf32, #tpu.memory_space<vmem>>, vector<16xf32>,
      %parallel_loop3A_129 = vector.bitcast %parallel_loop3A_67#10 : vector<16xf32> to vector<16xi32>
      %parallel_loop3A_130 = arith.sitofp %parallel_loop3A_129 : vector<16xi32> to vector<16xf32>
      %parallel_loop3A_131 = arith.constant 8.26295832E-8 : f32
      %parallel_loop3A_132 = vector.broadcast %parallel_loop3A_131 : f32 to vector<16xf32>
      %parallel_loop3A_133 = arith.mulf %parallel_loop3A_130, %parallel_loop3A_132 : vector<16xf32>
      %parallel_loop3A_134 = arith.constant 87.9899673 : f32
      %parallel_loop3A_135 = vector.broadcast %parallel_loop3A_134 : f32 to vector<16xf32>
      %parallel_loop3A_136 = arith.subf %parallel_loop3A_133, %parallel_loop3A_135 : vector<16xf32>
      %parallel_loop3A_137 = arith.constant 1.000000e+00 : f32
      %parallel_loop3A_138 = vector.broadcast %parallel_loop3A_137 : f32 to vector<16xf32>
      %parallel_loop3A_139 = arith.subf %parallel_loop3A_136, %parallel_loop3A_138 : vector<16xf32>
      %parallel_loop3A_140 = arith.constant 0.000000e+00 : f32
      %parallel_loop3A_141 = vector.broadcast %parallel_loop3A_140 : f32 to vector<16xf32>
      %parallel_loop3A_142 = arith.subf %parallel_loop3A_141, %parallel_loop3A_136 : vector<16xf32>
      %parallel_loop3A_143 = math.exp %parallel_loop3A_142 : vector<16xf32>
      %parallel_loop3A_144 = arith.mulf %parallel_loop3A_67#10, %parallel_loop3A_143 : vector<16xf32>
      %parallel_loop3A_145 = arith.addf %parallel_loop3A_139, %parallel_loop3A_144 : vector<16xf32>
      %parallel_loop3A_146 = arith.addf %parallel_loop3A_67#2, %parallel_loop3A_145 : vector<16xf32>
      %parallel_loop3A_147 = arith.constant 0.00999999977 : f32
      %parallel_loop3A_148 = vector.broadcast %parallel_loop3A_147 : f32 to vector<16xf32>
      %parallel_loop3A_149 = arith.mulf %parallel_loop3A_146, %parallel_loop3A_148 : vector<16xf32>
      %parallel_loop3A_150 = arith.constant 8 : i32
      %parallel_loop3A_151 = arith.muli %parallel_loop3A_62, %parallel_loop3A_150 : i32
      %parallel_loop3A_152 = arith.constant 2 : i32
      %parallel_loop3A_153 = arith.addi %parallel_loop3A_151, %parallel_loop3A_152 : i32
      %parallel_loop3A_154 = arith.constant 16 : i32
      %parallel_loop3A_155 = arith.muli %parallel_loop3A_59, %parallel_loop3A_154 : i32
      %parallel_loop3A_156 = arith.index_cast %parallel_loop3A_153 : i32 to index
      %parallel_loop3A_157 = arith.index_cast %parallel_loop3A_155 : i32 to index
      %parallel_loop3A_158 = tpu.vector_load %arg8[%parallel_loop3A_156, %parallel_loop3A_157] {strides = array<i32>} : memref<32x128xf32, #tpu.memory_space<vmem>>, vector<16xf32>,
      tpu.vector_store %arg8[%parallel_loop3A_156, %parallel_loop3A_157], %parallel_loop3A_149 {strides = array<i32>} : memref<32x128xf32, #tpu.memory_space<vmem>>, vector<16xf32>,
      %parallel_loop3A_159 = vector.bitcast %parallel_loop3A_67#11 : vector<16xf32> to vector<16xi32>
      %parallel_loop3A_160 = arith.sitofp %parallel_loop3A_159 : vector<16xi32> to vector<16xf32>
      %parallel_loop3A_161 = arith.constant 8.26295832E-8 : f32
      %parallel_loop3A_162 = vector.broadcast %parallel_loop3A_161 : f32 to vector<16xf32>
      %parallel_loop3A_163 = arith.mulf %parallel_loop3A_160, %parallel_loop3A_162 : vector<16xf32>
      %parallel_loop3A_164 = arith.constant 87.9899673 : f32
      %parallel_loop3A_165 = vector.broadcast %parallel_loop3A_164 : f32 to vector<16xf32>
      %parallel_loop3A_166 = arith.subf %parallel_loop3A_163, %parallel_loop3A_165 : vector<16xf32>
      %parallel_loop3A_167 = arith.constant 1.000000e+00 : f32
      %parallel_loop3A_168 = vector.broadcast %parallel_loop3A_167 : f32 to vector<16xf32>
      %parallel_loop3A_169 = arith.subf %parallel_loop3A_166, %parallel_loop3A_168 : vector<16xf32>
      %parallel_loop3A_170 = arith.constant 0.000000e+00 : f32
      %parallel_loop3A_171 = vector.broadcast %parallel_loop3A_170 : f32 to vector<16xf32>
      %parallel_loop3A_172 = arith.subf %parallel_loop3A_171, %parallel_loop3A_166 : vector<16xf32>
      %parallel_loop3A_173 = math.exp %parallel_loop3A_172 : vector<16xf32>
      %parallel_loop3A_174 = arith.mulf %parallel_loop3A_67#11, %parallel_loop3A_173 : vector<16xf32>
      %parallel_loop3A_175 = arith.addf %parallel_loop3A_169, %parallel_loop3A_174 : vector<16xf32>
      %parallel_loop3A_176 = arith.addf %parallel_loop3A_67#3, %parallel_loop3A_175 : vector<16xf32>
      %parallel_loop3A_177 = arith.constant 0.00999999977 : f32
      %parallel_loop3A_178 = vector.broadcast %parallel_loop3A_177 : f32 to vector<16xf32>
      %parallel_loop3A_179 = arith.mulf %parallel_loop3A_176, %parallel_loop3A_178 : vector<16xf32>
      %parallel_loop3A_180 = arith.constant 8 : i32
      %parallel_loop3A_181 = arith.muli %parallel_loop3A_62, %parallel_loop3A_180 : i32
      %parallel_loop3A_182 = arith.constant 3 : i32
      %parallel_loop3A_183 = arith.addi %parallel_loop3A_181, %parallel_loop3A_182 : i32
      %parallel_loop3A_184 = arith.constant 16 : i32
      %parallel_loop3A_185 = arith.muli %parallel_loop3A_59, %parallel_loop3A_184 : i32
      %parallel_loop3A_186 = arith.index_cast %parallel_loop3A_183 : i32 to index
      %parallel_loop3A_187 = arith.index_cast %parallel_loop3A_185 : i32 to index
      %parallel_loop3A_188 = tpu.vector_load %arg8[%parallel_loop3A_186, %parallel_loop3A_187] {strides = array<i32>} : memref<32x128xf32, #tpu.memory_space<vmem>>, vector<16xf32>,
      tpu.vector_store %arg8[%parallel_loop3A_186, %parallel_loop3A_187], %parallel_loop3A_179 {strides = array<i32>} : memref<32x128xf32, #tpu.memory_space<vmem>>, vector<16xf32>,
      %parallel_loop3A_189 = vector.bitcast %parallel_loop3A_67#12 : vector<16xf32> to vector<16xi32>
      %parallel_loop3A_190 = arith.sitofp %parallel_loop3A_189 : vector<16xi32> to vector<16xf32>
      %parallel_loop3A_191 = arith.constant 8.26295832E-8 : f32
      %parallel_loop3A_192 = vector.broadcast %parallel_loop3A_191 : f32 to vector<16xf32>
      %parallel_loop3A_193 = arith.mulf %parallel_loop3A_190, %parallel_loop3A_192 : vector<16xf32>
      %parallel_loop3A_194 = arith.constant 87.9899673 : f32
      %parallel_loop3A_195 = vector.broadcast %parallel_loop3A_194 : f32 to vector<16xf32>
      %parallel_loop3A_196 = arith.subf %parallel_loop3A_193, %parallel_loop3A_195 : vector<16xf32>
      %parallel_loop3A_197 = arith.constant 1.000000e+00 : f32
      %parallel_loop3A_198 = vector.broadcast %parallel_loop3A_197 : f32 to vector<16xf32>
      %parallel_loop3A_199 = arith.subf %parallel_loop3A_196, %parallel_loop3A_198 : vector<16xf32>
      %parallel_loop3A_200 = arith.constant 0.000000e+00 : f32
      %parallel_loop3A_201 = vector.broadcast %parallel_loop3A_200 : f32 to vector<16xf32>
      %parallel_loop3A_202 = arith.subf %parallel_loop3A_201, %parallel_loop3A_196 : vector<16xf32>
      %parallel_loop3A_203 = math.exp %parallel_loop3A_202 : vector<16xf32>
      %parallel_loop3A_204 = arith.mulf %parallel_loop3A_67#12, %parallel_loop3A_203 : vector<16xf32>
      %parallel_loop3A_205 = arith.addf %parallel_loop3A_199, %parallel_loop3A_204 : vector<16xf32>
      %parallel_loop3A_206 = arith.addf %parallel_loop3A_67#4, %parallel_loop3A_205 : vector<16xf32>
      %parallel_loop3A_207 = arith.constant 0.00999999977 : f32
      %parallel_loop3A_208 = vector.broadcast %parallel_loop3A_207 : f32 to vector<16xf32>
      %parallel_loop3A_209 = arith.mulf %parallel_loop3A_206, %parallel_loop3A_208 : vector<16xf32>
      %parallel_loop3A_210 = arith.constant 8 : i32
      %parallel_loop3A_211 = arith.muli %parallel_loop3A_62, %parallel_loop3A_210 : i32
      %parallel_loop3A_212 = arith.constant 4 : i32
      %parallel_loop3A_213 = arith.addi %parallel_loop3A_211, %parallel_loop3A_212 : i32
      %parallel_loop3A_214 = arith.constant 16 : i32
      %parallel_loop3A_215 = arith.muli %parallel_loop3A_59, %parallel_loop3A_214 : i32
      %parallel_loop3A_216 = arith.index_cast %parallel_loop3A_213 : i32 to index
      %parallel_loop3A_217 = arith.index_cast %parallel_loop3A_215 : i32 to index
      %parallel_loop3A_218 = tpu.vector_load %arg8[%parallel_loop3A_216, %parallel_loop3A_217] {strides = array<i32>} : memref<32x128xf32, #tpu.memory_space<vmem>>, vector<16xf32>,
      tpu.vector_store %arg8[%parallel_loop3A_216, %parallel_loop3A_217], %parallel_loop3A_209 {strides = array<i32>} : memref<32x128xf32, #tpu.memory_space<vmem>>, vector<16xf32>,
      %parallel_loop3A_219 = vector.bitcast %parallel_loop3A_67#13 : vector<16xf32> to vector<16xi32>
      %parallel_loop3A_220 = arith.sitofp %parallel_loop3A_219 : vector<16xi32> to vector<16xf32>
      %parallel_loop3A_221 = arith.constant 8.26295832E-8 : f32
      %parallel_loop3A_222 = vector.broadcast %parallel_loop3A_221 : f32 to vector<16xf32>
      %parallel_loop3A_223 = arith.mulf %parallel_loop3A_220, %parallel_loop3A_222 : vector<16xf32>
      %parallel_loop3A_224 = arith.constant 87.9899673 : f32
      %parallel_loop3A_225 = vector.broadcast %parallel_loop3A_224 : f32 to vector<16xf32>
      %parallel_loop3A_226 = arith.subf %parallel_loop3A_223, %parallel_loop3A_225 : vector<16xf32>
      %parallel_loop3A_227 = arith.constant 1.000000e+00 : f32
      %parallel_loop3A_228 = vector.broadcast %parallel_loop3A_227 : f32 to vector<16xf32>
      %parallel_loop3A_229 = arith.subf %parallel_loop3A_226, %parallel_loop3A_228 : vector<16xf32>
      %parallel_loop3A_230 = arith.constant 0.000000e+00 : f32
      %parallel_loop3A_231 = vector.broadcast %parallel_loop3A_230 : f32 to vector<16xf32>
      %parallel_loop3A_232 = arith.subf %parallel_loop3A_231, %parallel_loop3A_226 : vector<16xf32>
      %parallel_loop3A_233 = math.exp %parallel_loop3A_232 : vector<16xf32>
      %parallel_loop3A_234 = arith.mulf %parallel_loop3A_67#13, %parallel_loop3A_233 : vector<16xf32>
      %parallel_loop3A_235 = arith.addf %parallel_loop3A_229, %parallel_loop3A_234 : vector<16xf32>
      %parallel_loop3A_236 = arith.addf %parallel_loop3A_67#5, %parallel_loop3A_235 : vector<16xf32>
      %parallel_loop3A_237 = arith.constant 0.00999999977 : f32
      %parallel_loop3A_238 = vector.broadcast %parallel_loop3A_237 : f32 to vector<16xf32>
      %parallel_loop3A_239 = arith.mulf %parallel_loop3A_236, %parallel_loop3A_238 : vector<16xf32>
      %parallel_loop3A_240 = arith.constant 8 : i32
      %parallel_loop3A_241 = arith.muli %parallel_loop3A_62, %parallel_loop3A_240 : i32
      %parallel_loop3A_242 = arith.constant 5 : i32
      %parallel_loop3A_243 = arith.addi %parallel_loop3A_241, %parallel_loop3A_242 : i32
      %parallel_loop3A_244 = arith.constant 16 : i32
      %parallel_loop3A_245 = arith.muli %parallel_loop3A_59, %parallel_loop3A_244 : i32
      %parallel_loop3A_246 = arith.index_cast %parallel_loop3A_243 : i32 to index
      %parallel_loop3A_247 = arith.index_cast %parallel_loop3A_245 : i32 to index
      %parallel_loop3A_248 = tpu.vector_load %arg8[%parallel_loop3A_246, %parallel_loop3A_247] {strides = array<i32>} : memref<32x128xf32, #tpu.memory_space<vmem>>, vector<16xf32>,
      tpu.vector_store %arg8[%parallel_loop3A_246, %parallel_loop3A_247], %parallel_loop3A_239 {strides = array<i32>} : memref<32x128xf32, #tpu.memory_space<vmem>>, vector<16xf32>,
      %parallel_loop3A_249 = vector.bitcast %parallel_loop3A_67#14 : vector<16xf32> to vector<16xi32>
      %parallel_loop3A_250 = arith.sitofp %parallel_loop3A_249 : vector<16xi32> to vector<16xf32>
      %parallel_loop3A_251 = arith.constant 8.26295832E-8 : f32
      %parallel_loop3A_252 = vector.broadcast %parallel_loop3A_251 : f32 to vector<16xf32>
      %parallel_loop3A_253 = arith.mulf %parallel_loop3A_250, %parallel_loop3A_252 : vector<16xf32>
      %parallel_loop3A_254 = arith.constant 87.9899673 : f32
      %parallel_loop3A_255 = vector.broadcast %parallel_loop3A_254 : f32 to vector<16xf32>
      %parallel_loop3A_256 = arith.subf %parallel_loop3A_253, %parallel_loop3A_255 : vector<16xf32>
      %parallel_loop3A_257 = arith.constant 1.000000e+00 : f32
      %parallel_loop3A_258 = vector.broadcast %parallel_loop3A_257 : f32 to vector<16xf32>
      %parallel_loop3A_259 = arith.subf %parallel_loop3A_256, %parallel_loop3A_258 : vector<16xf32>
      %parallel_loop3A_260 = arith.constant 0.000000e+00 : f32
      %parallel_loop3A_261 = vector.broadcast %parallel_loop3A_260 : f32 to vector<16xf32>
      %parallel_loop3A_262 = arith.subf %parallel_loop3A_261, %parallel_loop3A_256 : vector<16xf32>
      %parallel_loop3A_263 = math.exp %parallel_loop3A_262 : vector<16xf32>
      %parallel_loop3A_264 = arith.mulf %parallel_loop3A_67#14, %parallel_loop3A_263 : vector<16xf32>
      %parallel_loop3A_265 = arith.addf %parallel_loop3A_259, %parallel_loop3A_264 : vector<16xf32>
      %parallel_loop3A_266 = arith.addf %parallel_loop3A_67#6, %parallel_loop3A_265 : vector<16xf32>
      %parallel_loop3A_267 = arith.constant 0.00999999977 : f32
      %parallel_loop3A_268 = vector.broadcast %parallel_loop3A_267 : f32 to vector<16xf32>
      %parallel_loop3A_269 = arith.mulf %parallel_loop3A_266, %parallel_loop3A_268 : vector<16xf32>
      %parallel_loop3A_270 = arith.constant 8 : i32
      %parallel_loop3A_271 = arith.muli %parallel_loop3A_62, %parallel_loop3A_270 : i32
      %parallel_loop3A_272 = arith.constant 6 : i32
      %parallel_loop3A_273 = arith.addi %parallel_loop3A_271, %parallel_loop3A_272 : i32
      %parallel_loop3A_274 = arith.constant 16 : i32
      %parallel_loop3A_275 = arith.muli %parallel_loop3A_59, %parallel_loop3A_274 : i32
      %parallel_loop3A_276 = arith.index_cast %parallel_loop3A_273 : i32 to index
      %parallel_loop3A_277 = arith.index_cast %parallel_loop3A_275 : i32 to index
      %parallel_loop3A_278 = tpu.vector_load %arg8[%parallel_loop3A_276, %parallel_loop3A_277] {strides = array<i32>} : memref<32x128xf32, #tpu.memory_space<vmem>>, vector<16xf32>,
      tpu.vector_store %arg8[%parallel_loop3A_276, %parallel_loop3A_277], %parallel_loop3A_269 {strides = array<i32>} : memref<32x128xf32, #tpu.memory_space<vmem>>, vector<16xf32>,
      %parallel_loop3A_279 = vector.bitcast %parallel_loop3A_67#15 : vector<16xf32> to vector<16xi32>
      %parallel_loop3A_280 = arith.sitofp %parallel_loop3A_279 : vector<16xi32> to vector<16xf32>
      %parallel_loop3A_281 = arith.constant 8.26295832E-8 : f32
      %parallel_loop3A_282 = vector.broadcast %parallel_loop3A_281 : f32 to vector<16xf32>
      %parallel_loop3A_283 = arith.mulf %parallel_loop3A_280, %parallel_loop3A_282 : vector<16xf32>
      %parallel_loop3A_284 = arith.constant 87.9899673 : f32
      %parallel_loop3A_285 = vector.broadcast %parallel_loop3A_284 : f32 to vector<16xf32>
      %parallel_loop3A_286 = arith.subf %parallel_loop3A_283, %parallel_loop3A_285 : vector<16xf32>
      %parallel_loop3A_287 = arith.constant 1.000000e+00 : f32
      %parallel_loop3A_288 = vector.broadcast %parallel_loop3A_287 : f32 to vector<16xf32>
      %parallel_loop3A_289 = arith.subf %parallel_loop3A_286, %parallel_loop3A_288 : vector<16xf32>
      %parallel_loop3A_290 = arith.constant 0.000000e+00 : f32
      %parallel_loop3A_291 = vector.broadcast %parallel_loop3A_290 : f32 to vector<16xf32>
      %parallel_loop3A_292 = arith.subf %parallel_loop3A_291, %parallel_loop3A_286 : vector<16xf32>
      %parallel_loop3A_293 = math.exp %parallel_loop3A_292 : vector<16xf32>
      %parallel_loop3A_294 = arith.mulf %parallel_loop3A_67#15, %parallel_loop3A_293 : vector<16xf32>
      %parallel_loop3A_295 = arith.addf %parallel_loop3A_289, %parallel_loop3A_294 : vector<16xf32>
      %parallel_loop3A_296 = arith.addf %parallel_loop3A_67#7, %parallel_loop3A_295 : vector<16xf32>
      %parallel_loop3A_297 = arith.constant 0.00999999977 : f32
      %parallel_loop3A_298 = vector.broadcast %parallel_loop3A_297 : f32 to vector<16xf32>
      %parallel_loop3A_299 = arith.mulf %parallel_loop3A_296, %parallel_loop3A_298 : vector<16xf32>
      %parallel_loop3A_300 = arith.constant 8 : i32
      %parallel_loop3A_301 = arith.muli %parallel_loop3A_62, %parallel_loop3A_300 : i32
      %parallel_loop3A_302 = arith.constant 7 : i32
      %parallel_loop3A_303 = arith.addi %parallel_loop3A_301, %parallel_loop3A_302 : i32
      %parallel_loop3A_304 = arith.constant 16 : i32
      %parallel_loop3A_305 = arith.muli %parallel_loop3A_59, %parallel_loop3A_304 : i32
      %parallel_loop3A_306 = arith.index_cast %parallel_loop3A_303 : i32 to index
      %parallel_loop3A_307 = arith.index_cast %parallel_loop3A_305 : i32 to index
      %parallel_loop3A_308 = tpu.vector_load %arg8[%parallel_loop3A_306, %parallel_loop3A_307] {strides = array<i32>} : memref<32x128xf32, #tpu.memory_space<vmem>>, vector<16xf32>,
      tpu.vector_store %arg8[%parallel_loop3A_306, %parallel_loop3A_307], %parallel_loop3A_299 {strides = array<i32>} : memref<32x128xf32, #tpu.memory_space<vmem>>, vector<16xf32>,
    } {sc.loop_unroll_factor = 1 : i64, sc.parallel_access}
    %mul3A_31 = arith.constant 32 : i32
    %mul3A_32 = arith.muli %arg0, %mul3A_31 : i32
    %mul3A_33 = arith.constant 128 : i32
    %mul3A_34 = arith.muli %arg1, %mul3A_33 : i32
    "tpu.region"() ({
      %run_scoped3A = tpu.sem_alloc : memref<!tpu.dma_semaphore, #tpu.memory_space<semaphore_mem>>
      %dma_start3A_35 = tpu.memref_slice %arg4[%mul3A_32, %mul3A_34] : memref<64x2048xf32, #tpu.memory_space<hbm>> -> memref<32x128xf32, #tpu.memory_space<hbm>>
      %dma_start3A_36 = tpu.memref_slice %arg4[%mul3A_32, %mul3A_34] : memref<64x2048xf32, #tpu.memory_space<hbm>> -> memref<32x128xf32, #tpu.memory_space<hbm>>
      tpu.enqueue_dma source(%arg8 : memref<32x128xf32, #tpu.memory_space<vmem>>) target(%dma_start3A_36 : memref<32x128xf32, #tpu.memory_space<hbm>>) target_semaphore(%run_scoped3A : memref<!tpu.dma_semaphore, #tpu.memory_space<semaphore_mem>>)
      %dma_wait3A_37 = tpu.memref_slice %arg4[%mul3A_32, %mul3A_34] : memref<64x2048xf32, #tpu.memory_space<hbm>> -> memref<32x128xf32, #tpu.memory_space<hbm>>
      %dma_wait3A_38 = tpu.memref_slice %arg4[%mul3A_32, %mul3A_34] : memref<64x2048xf32, #tpu.memory_space<hbm>> -> memref<32x128xf32, #tpu.memory_space<hbm>>
      tpu.wait_dma2 semaphore(%run_scoped3A : memref<!tpu.dma_semaphore, #tpu.memory_space<semaphore_mem>>) src(%arg8 : memref<32x128xf32, #tpu.memory_space<vmem>>) dst(%dma_wait3A_38 : memref<32x128xf32, #tpu.memory_space<hbm>>)
      tpu.yield
    }) : () -> ()
    return
  }
}

</mosaic_0001>

<sc_bundles>
// kernel: _clause_fn.3.cloned.1.call-start
scs
__scs_entry_jumppad:
0x0: {  	(pc) =	sbr.rel $0x88, $3  }
0x1: {  	(tag) =	ssettag $0x0;
	lr =	simm.s32 $0x1  }
0x2: {  	[smem:$0x3F9F] =	sst lr;
	_ =	strace $0xD0000000  }
0x3: {  	_ = 	snop  }
0x4: {  	_ = 	snop  }
0x5: {  	_ = 	snop  }
0x6: {  	_ = 	snop  }
0x7: {  	_ = 	snop  }
__scs_overlays_trampoline_lowered:
0x8: {  	[smem:$0x3FAE] =	sst s0  }
0x9: {  	[smem:$0x3FAF] =	sst s1  }
0xa: {  	[smem:$0x3FB0] =	sst s2  }
0xb: {  	[smem:$0x3FB1] =	sst s3  }
0xc: {  	[smem:$0x3FB2] =	sst s4  }
0xd: {  	[smem:$0x3FB3] =	sst s5  }
0xe: {  	[smem:$0x3FB4] =	sst s6  }
0xf: {  	[smem:$0x3FB5] =	sst s7  }
0x10: {  	[smem:$0x3FB6] =	sst s8  }
0x11: {  	[smem:$0x3FB7] =	sst s9;
	s0 =	simm.s32 @!p0 $0x0  }
0x12: {  	s1 =	sld [smem:$0x3F9D];
	s0 =	simm.s32 @p0 $0x1  }
0x13: {  	[smem:$0x3FB8] =	sst s0;
	s0 =	simm.s32 @!p1 $0x0  }
0x14: {  	s2 =	sld [smem:$0x3F9C];
	s0 =	simm.s32 @p1 $0x1  }
0x15: {  	[smem:$0x3FB9] =	sst s0;
	s0 =	simm.s32 @!p2 $0x0  }
0x16: {  	s3 =	sld [smem:$0x3FDB];
	s0 =	simm.s32 @p2 $0x1  }
0x17: {  	s4 =	simm.s32 $0x1BF5;
	[smem:$0x3FBB] =	sst s0  }
0x18: {  	s0 =	sld [smem:$0x3F9E];
	_ =	swait.ge [sflag:s4], $0x0  }
0x19: {  	s7 =	sld [smem:$0x3F9F]  }
0x1a: {  	s8 =	sadd.s32 $0xFFFFE003, lr  }
0x1b: {  	s9 =	sadd.s32 $0xFFFFFEF7, lr;
	s5 =	simm.s32 $0xFFFFFFFF;
	p2 =	slt.u32 s8, $0xFFFFF086  }
0x1c: {  	p1 =	slt.u32 s9, $0xF7A;
	s5 =	simm.s32 @!p2 $0x0  }
0x1d: {  	s5 =	simm.s32 @p1 $0x1;
	p0 =	seq.s32 s7, s2  }
0x1e: {  	s7 =	smul.u32 @!p0 $0xF7A, s2;
	p2 =	seq.s32 @!p0 s5, $0x0  }
0x1f: {  	s9 =	smul.u32 $0xF7A, s1;
	s8 =	simm.s32 @!p0 $0x1BF5;
	p2 =	por !p2, p0  }
0x20: {  	[sflag:s8] =	ssyncset.s32 @!p0 $0xFFFFF086;
	s6 =	sadd.s32 @!p0 s3, s7;
	s7 =	simm.s32 @!p0 $0x108  }
0x21: {  	s3 =	sadd.s32 s3, s9;
	s6 =	sadd.s32 @!p0 $0x88, s6;
	s7 =	simm.s32 @p2 $0x1082  }
0x22: {  	[simem:s7], [sflag:s8] =	dma.local @!p0 [hbm:s6], $0xF7A  }
0x23: {  	s9 =	sor.u32 $0xD0000000, s2;
	s6 =	simm.s32 $0x108;
	_ =	swait.ge @!p0 [sflag:s8], $0x0  }
0x24: {  	s3 =	sadd.s32 $0x88, s3;
	s6 =	simm.s32 @!p1 $0x1082;
	[sflag:s4] =	ssyncset.s32 $0xFFFFF086  }
0x25: {  	[simem:s6], [sflag:s4] =	dma.local [hbm:s3], $0xF7A  }
0x26: {  	[smem:$0x3F9F] =	sst s1;
	(tag) =	ssettag s2;
	_ =	strace s9  }
0x27: {  	s1 =	sld [smem:$0x3FAF]  }
0x28: {  	s2 =	sld [smem:$0x3FB0]  }
0x29: {  	s4 =	sld [smem:$0x3FB2]  }
0x2a: {  	p0 =	seq.s32 s5, $0x0;
	s5 =	sld [smem:$0x3FB3]  }
0x2b: {  	s6 =	sld [smem:$0x3FB4]  }
0x2c: {  	s7 =	sld [smem:$0x3FB5]  }
0x2d: {  	s3 =	simm.s32 $0x108;
	s8 =	sld [smem:$0x3FB6]  }
0x2e: {  	s3 =	simm.s32 @!p0 $0x1082;
	s9 =	sld [smem:$0x3FB7]  }
0x2f: {  	lr =	sadd.s32 s0, s3;
	s0 =	sld [smem:$0x3FAE]  }
0x30: {  	s3 =	sld [smem:$0x3FB1]  }
0x31: {  	[smem:$0x3FBA] =	sst s10  }
0x32: {  	s10 =	sld [smem:$0x3FB8];
	_ =	sdelay $0x3  }
0x33: {  	p0 =	seq.s32 s10, $0x1;
	s10 =	sld [smem:$0x3FBA];
	_ =	sdelay $0x3  }
0x34: {  	[smem:$0x3FBA] =	sst s10  }
0x35: {  	s10 =	sld [smem:$0x3FB9];
	_ =	sdelay $0x3  }
0x36: {  	p1 =	seq.s32 s10, $0x1;
	s10 =	sld [smem:$0x3FBA];
	_ =	sdelay $0x3  }
0x37: {  	[smem:$0x3FBA] =	sst s10  }
0x38: {  	s10 =	sld [smem:$0x3FBB]  }
0x39: {  	_ = 	snop;
	(pc) =	sbr.ind lr, $3  }
0x3a: {  	_ = 	snop  }
0x3b: {  	_ = 	snop  }
0x3c: {  	p2 =	seq.s32 s10, $0x1;
	s10 =	sld [smem:$0x3FBA]  }
0x3d: {  	_ =	shalt  }
0x3e: {  	_ =	shalt  }
0x3f: {  	_ =	shalt  }
0x40: {  	_ =	shalt  }
0x41: {  	_ =	shalt  }
0x42: {  	_ =	shalt  }
0x43: {  	_ =	shalt  }
0x44: {  	_ =	shalt  }
0x45: {  	_ =	shalt  }
0x46: {  	_ =	shalt  }
0x47: {  	_ =	shalt  }
0x48: {  	_ =	shalt  }
0x49: {  	_ =	shalt  }
0x4a: {  	_ =	shalt  }
0x4b: {  	_ =	shalt  }
0x4c: {  	_ =	shalt  }
0x4d: {  	_ =	shalt  }
0x4e: {  	_ =	shalt  }
0x4f: {  	_ =	shalt  }
0x50: {  	_ =	shalt  }
0x51: {  	_ =	shalt  }
0x52: {  	_ =	shalt  }
0x53: {  	_ =	shalt  }
0x54: {  	_ =	shalt  }
0x55: {  	_ =	shalt  }
0x56: {  	_ =	shalt  }
0x57: {  	_ =	shalt  }
0x58: {  	_ =	shalt  }
0x59: {  	_ =	shalt  }
0x5a: {  	_ =	shalt  }
0x5b: {  	_ =	shalt  }
0x5c: {  	_ =	shalt  }
0x5d: {  	_ =	shalt  }
0x5e: {  	_ =	shalt  }
0x5f: {  	_ =	shalt  }
0x60: {  	_ =	shalt  }
0x61: {  	_ =	shalt  }
0x62: {  	_ =	shalt  }
0x63: {  	_ =	shalt  }
0x64: {  	_ =	shalt  }
0x65: {  	_ =	shalt  }
0x66: {  	_ =	shalt  }
0x67: {  	_ =	shalt  }
0x68: {  	_ =	shalt  }
0x69: {  	_ =	shalt  }
0x6a: {  	_ =	shalt  }
0x6b: {  	_ =	shalt  }
0x6c: {  	_ =	shalt  }
0x6d: {  	_ =	shalt  }
0x6e: {  	_ =	shalt  }
0x6f: {  	_ =	shalt  }
0x70: {  	_ =	shalt  }
0x71: {  	_ =	shalt  }
0x72: {  	_ =	shalt  }
0x73: {  	_ =	shalt  }
0x74: {  	_ =	shalt  }
0x75: {  	_ =	shalt  }
0x76: {  	_ =	shalt  }
0x77: {  	_ =	shalt  }
0x78: {  	_ =	shalt  }
0x79: {  	_ =	shalt  }
0x7a: {  	_ =	shalt  }
0x7b: {  	_ =	shalt  }
0x7c: {  	_ =	shalt  }
0x7d: {  	_ =	shalt  }
0x7e: {  	_ =	shalt  }
0x7f: {  	_ =	shalt  }
0x80: {  	_ =	shalt  }
0x81: {  	_ =	shalt  }
0x82: {  	_ =	shalt  }
0x83: {  	_ =	shalt  }
0x84: {  	_ =	shalt  }
0x85: {  	_ =	shalt  }
0x86: {  	_ =	shalt  }
0x87: {  	_ =	shalt  }
.Lfunc_end0:
.L_simem_size_0:
called_computation_lowered:
.L_overlay_start_0:
0x88: {  	s2 =	sld [smem:$0x3FD9]  }
0x89: {  	s3 =	sld [smem:$0x3FFE];
	_ =	sdelay $0x1  }
0x8a: {  	s1 =	srdreg.scid  }
0x8b: {  	s0 =	sand.u32 $0x1, s1  }
0x8c: {  	s17 =	sshll.u32 s0, $0xA;
	s2 =	sadd.s32 s3, s2  }
0x8d: {  	s2 =	sadd.s32 s2, s17  }
0x8e: {  	[smem:$0x3FC6] =	sst s2  }
0x8f: {  	_ = 	snop  }
0x90: {  	s2 =	sld [smem:$0x3FC8]  }
0x91: {  	s18 =	sld [smem:$0x3FD0];
	(tm) =	ssettm $0x1  }
0x92: {  	s4 =	sld [smem:$0x3FFB];
	_ =	sdelay $0x3  }
0x93: {  	_ =	strace s4  }
0x94: {  	s4 =	sld [smem:$0x3FFC];
	_ =	sdelay $0x3  }
0x95: {  	_ =	strace s4  }
0x96: {  	s4 =	sld [smem:$0x3FFD];
	_ =	sdelay $0x3  }
0x97: {  	_ =	strace s4  }
0x98: {  	_ =	strace $0x8FFFFFFF  }
0x99: {  	s19 =	sld [smem:$0x3FDB];
	_ =	sdelay $0x1  }
0x9a: {  	s5 =	simm.s32 $_scs_section_size  }
0x9b: {  	s6 =	simm.s32 $_size__tile_overlayer_lowered;
	s7 =	simm.s32 $_tile_overlayer_lowered  }
0x9c: {  	s22 =	simm.s32 $0x1BFF;
	s21 =	sshll.u32 s7, $0x1;
	s4 =	sadd.s32 s5, s19  }
0x9d: {  	s8 =	simm.s32 $0x0;
	s20 =	sshll.u32 s6, $0x1;
	s6 =	sadd.s32 s21, s4  }
0x9e: {  	[timem:s8], [sflag:s22] =	dma.local [hbm:s6], s20  }
0x9f: {  	_ =	swait.ge [sflag:s22], s20  }
0xa0: {  	s5 =	ssub.s32 $0x0, s20;
	[sflag:s22] =	ssyncset.done $0x0  }
0xa1: {  	[sflag:s22] =	ssyncadd.s32 s5;
	_ =	sdelay $0x1  }
0xa2: {  	s23 =	simm.s32 $0x1B8B  }
0xa3: {  	_ =	swait.ge [sflag:s23], $0x1  }
0xa4: {  	[sflag:s23] =	ssyncset.done $0x0  }
0xa5: {  	s25 =	simm.s32 $0x1B8E;
	s24 =	sld [smem:$0x3FFE];
	[sflag:s23] =	ssyncadd.s32 $0xFFFFFFFF  }
0xa6: {  	s26 =	simm.s32 $execute0_lowered;
	[smem:$0x3FD2] =	sst s25  }
0xa7: {  	s6 =	sshll.u32 s26, $0x1;
	_ =	strace $0x80000046;
	[dreg:$0x1] =	wrdreg $0xFFFFFFFF  }
0xa8: {  	s28 =	simm.s32 $_size_execute0_lowered;
	s4 =	sadd.s32 s4, s6;
	[dreg:$0x0] =	wrdreg $0x0  }
0xa9: {  	s6 =	sshll.u32 s28, $0x1;
	[dreg:$0x2] =	wrdreg s4  }
0xaa: {  	[dreg:$0x3] =	wrdreg s6  }
0xab: {  	[dreg:$0x4] =	wrdreg $0xC0  }
0xac: {  	_ =	task [dreg:s8], $0x5FFFF  }
0xad: {  	[dreg:$0x1] =	wrdreg $0xFFFFFFFF  }
0xae: {  	[dreg:$0x0] =	wrdreg $0x60  }
0xaf: {  	[dreg:$0x2] =	wrdreg s18  }
0xb0: {  	[dreg:$0x3] =	wrdreg s2  }
0xb1: {  	[dreg:$0x4] =	wrdreg s24  }
0xb2: {  	[dreg:$0x5] =	wrdreg $0x9  }
0xb3: {  	_ =	task.clear_ibuf [dreg:s8], $0x6FFFF;
	_ =	strace $0x90000046  }
0xb4: {  	s29 =	simm.s32 $0x9;
	_ =	strace $0x80000048  }
0xb5: {  	_ =	swait.ge [sflag:s29], $0x1  }
0xb6: {  	[sflag:s29] =	ssyncadd.s32 $0xFFFFFFFF  }
0xb7: {  	_ =	strace $0x90000048  }
0xb8: {  	_ =	sfence  }
0xb9: {  	s30 =	sld [smem:$0x0];
	_ =	sdelay $0x2  }
0xba: {  	s31 =	sshll.u32 s1, $0xD;
	s1 =	sshrl.u32 s1, $0x2  }
0xbb: {  	s3 =	sand.u32 $0x4000, s31;
	s1 =	sadd.s32 s1, s30  }
0xbc: {  	s0 =	sor.u32 s3, s0;
	s1 =	sshll.u32 s1, $0x11  }
0xbd: {  	s0 =	sor.u32 s1, s0  }
0xbe: {  	s0 =	sadd.s32 $0x8F2B, s0  }
0xbf: {  	[sflag:s0] =	ssyncadd.remote.s32 $0x1  }
0xc0: {  	_ =	sfence.sel $0xFFFF  }
0xc1: {  	[dreg:$0x0] =	wrdreg $0xFFFFFFFF;
	(pc) =	sbr.abs _section_cstart, $3  }
0xc2: {  	[dreg:$0x1] =	wrdreg $0xFFFFFFFF  }
0xc3: {  	_ =	task.clear_ibuf [dreg:s8], $0x2FFFF;
	_ =	strace $0x9FFFFFFF  }
0xc4: {  	(tm) =	ssettm $0x7FFFFFFF  }
0xc5: {  	_ =	shalt  }
tec
execute0_lowered:
.L_overlay_start_1:
0x0: {  	(tag) =	ssettag $0x1  }
0x1: {  	s4 =	rddreg [dreg:$0x0]  }
0x2: {  	s3 =	rddreg [dreg:$0x1]  }
0x3: {  	s5 =	rddreg [dreg:$0x2]  }
0x4: {  	s2 =	simm.s32 $0x0;
	s0 =	stileid.u32;
	s6 =	srdreg.scid  }
0x5: {  	s10 =	simm.s32 $0x12000;
	s11 =	simm.s32 $0x1;
	s12 =	simm.s32 $0x80  }
0x6: {  	s13 =	simm.s32 $0x800;
	s14 =	simm.s32 $0x16080;
	s15 =	simm.s32 $0x0  }
0x7: {  	[smem:$0x7FF] =	sst s2;
	s7 =	sshll.u32 s0, $0x4;
	s6 =	sand.u32 $0x1, s6  }
0x8: {  	s9 =	sshll.u32 s0, $0xB;
	_ =	strace $0x80000047;
	s5 =	sadd.s32 s7, s5  }
0x9: {  	v1 =	vlaneseq.u32;
	s30 =	ssub.s32 $0x2, s6;
	s6 =	sshll.u32 s6, $0xD;
	s3 =	sadd.s32 s3, s9  }
0xa: {  	v0 =	vmul.u32 $0x81, v1;
	v1 =	vand.u32 $0x7, v1;
	s9 =	simm.s32 $0x2;
	s8 =	sshrl.u32 s30, $0x1;
	s31 =	sadd.s32 s6, s5  }
0xb: {  	[tilespmem:$0x1FFF0] =	vst v1;
	s4 =	sadd.s32 s4, s6;
	s5 =	sadd.s32 $0x400, s3;
	s7 =	ssub.s32 s30, s8  }
0xc: {  	[tilespmem:$0x1FFE0] =	vst v0;
	s6 =	sadd.s32 $0x400, s31;
	s8 =	simm.s32 $0x10000;
	s7 =	smax.u32 s7, $0x1  }
.LBB2_1:
0xd: {  	[tilespmem:s2], [sflag:$0x1] =	stream.linear.gather [hbm4b:s4+s2], $0x10000, $0x38;
	[tilespmem:$0x17080] =	vst v63  }
0xe: {  	_ = 	snop  }
0xf: {  	[tilespmem:s8], [sflag:$0x2] =	stream.linear.gather [hbm4b:s3+s2], $0x2000, $0x38;
	[tilespmem:$0x17080] =	vst v63  }
0x10: {  	_ =	swait.ge [sflag:s9], $0x2000  }
0x11: {  	[sflag:s9] =	ssyncset.done $0x0  }
0x12: {  	s16 =	simm.s32 $0x10200;
	s17 =	simm.s32 $0x0;
	[sflag:s9] =	ssyncadd.s32 $0xFFFFE000  }
.LBB2_2:
0x13: {  	s18 =	smul.u32 $0x810, s17;
	_ =	sdelay $0x1  }
0x14: {  	s24 =	simm.s32 $0x0;
	v2 =	vadd.s32 s18, v0  }
0x15: {  	v3 =	vadd.s32 s24, v2  }
0x16: {  	v3 =	vand.u32 $0xFFF8, v3  }
0x17: {  	v4 =	vld [tilespmem:s16+$0xFFFFFE00];
	v3 =	vor.u32 v1, v3;
	_ =	sdelay $0x4  }
0x18: {  	s25 =	simm.s32 $0x1;
	[tilespmem:v3+s10+$0x0] =	vst.idx.msk $0xffff, v4  }
0x19: {  	v4 =	vadd.s32 s25, v2;
	v3 =	vld [tilespmem:s16+$0xFFFFFE80];
	_ =	sdelay $0x4  }
0x1a: {  	s26 =	simm.s32 $0x2;
	[tilespmem:v4+s10+$0x0] =	vst.idx.msk $0xffff, v3  }
0x1b: {  	v4 =	vadd.s32 s26, v2;
	v3 =	vld [tilespmem:s16+$0xFFFFFF00];
	_ =	sdelay $0x4  }
0x1c: {  	s28 =	simm.s32 $0x3;
	[tilespmem:v4+s10+$0x0] =	vst.idx.msk $0xffff, v3  }
0x1d: {  	v4 =	vadd.s32 s28, v2;
	v3 =	vld [tilespmem:s16+$0xFFFFFF80];
	_ =	sdelay $0x4  }
0x1e: {  	s29 =	simm.s32 $0x4;
	[tilespmem:v4+s10+$0x0] =	vst.idx.msk $0xffff, v3  }
0x1f: {  	v4 =	vadd.s32 s29, v2;
	v3 =	vld [tilespmem:s16+$0x0];
	_ =	sdelay $0x4  }
0x20: {  	s30 =	simm.s32 $0x5;
	[tilespmem:v4+s10+$0x0] =	vst.idx.msk $0xffff, v3  }
0x21: {  	v4 =	vadd.s32 s30, v2;
	v3 =	vld [tilespmem:s16+$0x80];
	_ =	sdelay $0x4  }
0x22: {  	s31 =	simm.s32 $0x6;
	[tilespmem:v4+s10+$0x0] =	vst.idx.msk $0xffff, v3  }
0x23: {  	v4 =	vadd.s32 s31, v2;
	v3 =	vld [tilespmem:s16+$0x100];
	_ =	sdelay $0x4  }
0x24: {  	s19 =	simm.s32 $0x7;
	[tilespmem:v4+s10+$0x0] =	vst.idx.msk $0xffff, v3  }
0x25: {  	v4 =	vadd.s32 s19, v2;
	v3 =	vld [tilespmem:s16+$0x180];
	_ =	sdelay $0x1  }
0x26: {  	s21 =	simm.s32 $0x8  }
0x27: {  	s20 =	simm.s32 $0x17;
	s18 =	simm.s32 $0xF;
	s19 =	smov.u32 s16  }
.LBB2_3:
0x28: {  	p0 =	sne.s32 s20, $0x3F;
	v5 =	vadd.s32 s21, v2  }
0x29: {  	s19 =	sadd.s32 $0x400, s19;
	v5 =	vand.u32 $0xFFF8, v5;
	[tilespmem:v4+s10+$0x0] =	vst.idx.msk $0xffff, v3  }
0x2a: {  	v3 =	vld [tilespmem:s19+$0xFFFFFE00];
	v4 =	vor.u32 v1, v5;
	_ =	sdelay $0x4  }
0x2b: {  	s21 =	sadd.s32 $0xFFFFFFFA, s18;
	[tilespmem:v4+s10+$0x0] =	vst.idx.msk $0xffff, v3  }
0x2c: {  	v4 =	vadd.s32 s21, v2;
	v3 =	vld [tilespmem:s19+$0xFFFFFE80];
	_ =	sdelay $0x4  }
0x2d: {  	s21 =	sadd.s32 $0xFFFFFFFB, s18;
	[tilespmem:v4+s10+$0x0] =	vst.idx.msk $0xffff, v3  }
0x2e: {  	v4 =	vadd.s32 s21, v2;
	v3 =	vld [tilespmem:s19+$0xFFFFFF00];
	_ =	sdelay $0x4  }
0x2f: {  	s21 =	sadd.s32 $0xFFFFFFFC, s18;
	[tilespmem:v4+s10+$0x0] =	vst.idx.msk $0xffff, v3  }
0x30: {  	v4 =	vadd.s32 s21, v2;
	v3 =	vld [tilespmem:s19+$0xFFFFFF80];
	_ =	sdelay $0x4  }
0x31: {  	s21 =	sadd.s32 $0xFFFFFFFD, s18;
	[tilespmem:v4+s10+$0x0] =	vst.idx.msk $0xffff, v3  }
0x32: {  	v4 =	vadd.s32 s21, v2;
	v3 =	vld [tilespmem:s19+$0x0];
	_ =	sdelay $0x4  }
0x33: {  	s21 =	sadd.s32 $0xFFFFFFFE, s18;
	[tilespmem:v4+s10+$0x0] =	vst.idx.msk $0xffff, v3  }
0x34: {  	v4 =	vadd.s32 s21, v2;
	v3 =	vld [tilespmem:s19+$0x80];
	_ =	sdelay $0x4  }
0x35: {  	s21 =	sadd.s32 $0xFFFFFFFF, s18;
	[tilespmem:v4+s10+$0x0] =	vst.idx.msk $0xffff, v3  }
0x36: {  	v4 =	vadd.s32 s21, v2;
	v3 =	vld [tilespmem:s19+$0x100];
	_ =	sdelay $0x4  }
.Ltmp0:
0x37: {  	[tilespmem:v4+s10+$0x0] =	vst.idx.msk $0xffff, v3;
	(pc) =	sbr.rel @p0 .LBB2_3-.Ltmp0, $2  }
0x38: {  	v4 =	vadd.s32 s18, v2;
	s18 =	smov.u32 s20;
	v3 =	vld [tilespmem:s19+$0x180];
	_ =	sdelay $0x2  }
0x39: {  	s20 =	sadd.s32 $0x8, s20;
	s21 =	sadd.s32 $0xFFFFFFF9, s18  }
0x3a: {  	_ =	sdelay $0x2  }
0x3b: {  	v5 =	vadd.s32 s21, v2  }
0x3c: {  	s19 =	sadd.s32 $0x400, s19;
	v5 =	vand.u32 $0xFFF8, v5;
	[tilespmem:v4+s10+$0x0] =	vst.idx.msk $0xffff, v3  }
0x3d: {  	v3 =	vld [tilespmem:s19+$0xFFFFFE00];
	v57 =	vor.u32 v1, v5;
	_ =	sdelay $0x4  }
0x3e: {  	s20 =	sadd.s32 $0xFFFFFFFA, s18;
	[tilespmem:v57+s10+$0x0] =	vst.idx.msk $0xffff, v3  }
0x3f: {  	v58 =	vadd.s32 s20, v2;
	v3 =	vld [tilespmem:s19+$0xFFFFFE80];
	_ =	sdelay $0x4  }
0x40: {  	s26 =	sadd.s32 $0xFFFFFFFB, s18;
	[tilespmem:v58+s10+$0x0] =	vst.idx.msk $0xffff, v3  }
0x41: {  	v59 =	vadd.s32 s26, v2;
	v3 =	vld [tilespmem:s19+$0xFFFFFF00];
	_ =	sdelay $0x4  }
0x42: {  	s28 =	sadd.s32 $0xFFFFFFFC, s18;
	[tilespmem:v59+s10+$0x0] =	vst.idx.msk $0xffff, v3  }
0x43: {  	v60 =	vadd.s32 s28, v2;
	v3 =	vld [tilespmem:s19+$0xFFFFFF80];
	_ =	sdelay $0x4  }
0x44: {  	s29 =	sadd.s32 $0xFFFFFFFD, s18;
	[tilespmem:v60+s10+$0x0] =	vst.idx.msk $0xffff, v3  }
0x45: {  	v61 =	vadd.s32 s29, v2;
	v3 =	vld [tilespmem:s19+$0x0];
	_ =	sdelay $0x4  }
0x46: {  	s30 =	sadd.s32 $0xFFFFFFFE, s18;
	[tilespmem:v61+s10+$0x0] =	vst.idx.msk $0xffff, v3  }
0x47: {  	v62 =	vadd.s32 s30, v2;
	v3 =	vld [tilespmem:s19+$0x80];
	_ =	sdelay $0x4  }
0x48: {  	s31 =	sadd.s32 $0xFFFFFFFF, s18;
	[tilespmem:v62+s10+$0x0] =	vst.idx.msk $0xffff, v3  }
0x49: {  	v63 =	vadd.s32 s31, v2;
	v3 =	vld [tilespmem:s19+$0x100];
	_ =	sdelay $0x4  }
0x4a: {  	s17 =	sadd.s32 $0x1, s17;
	[tilespmem:v63+s10+$0x0] =	vst.idx.msk $0xffff, v3  }
0x4b: {  	v2 =	vadd.s32 s18, v2;
	p0 =	sne.s32 s17, $0x8;
	v3 =	vld [tilespmem:s19+$0x180]  }
.Ltmp1:
0x4c: {  	_ = 	snop;
	(pc) =	sbr.rel @p0 .LBB2_2-.Ltmp1, $2  }
0x4d: {  	_ =	sdelay $0x2  }
0x4e: {  	s16 =	sadd.s32 $0x10, s16;
	[tilespmem:v2+s10+$0x0] =	vst.idx.msk $0xffff, v3  }
0x4f: {  	s16 =	simm.s32 $0x0  }
0x50: {  	[tilespmem:s8], [sflag:$0x2] =	stream.linear.gather [hbm4b:s5+s16], $0x2000, $0x38;
	[tilespmem:$0x17080] =	vst v63  }
0x51: {  	_ =	swait.ge [sflag:s9], $0x2000  }
0x52: {  	[sflag:s9] =	ssyncset.done $0x0  }
0x53: {  	s17 =	simm.s32 $0x10200;
	[sflag:s9] =	ssyncadd.s32 $0xFFFFE000  }
.LBB2_6:
0x54: {  	s18 =	smul.u32 $0x810, s16;
	_ =	sdelay $0x1  }
0x55: {  	s18 =	sadd.s32 $0x40, s18  }
0x56: {  	s24 =	simm.s32 $0x0;
	v2 =	vadd.s32 s18, v0  }
0x57: {  	v3 =	vadd.s32 s24, v2  }
0x58: {  	v3 =	vand.u32 $0x7FFFFFF8, v3  }
0x59: {  	v4 =	vld [tilespmem:s17+$0xFFFFFE00];
	v3 =	vor.u32 v1, v3;
	_ =	sdelay $0x4  }
0x5a: {  	s25 =	simm.s32 $0x1;
	[tilespmem:v3+s10+$0x0] =	vst.idx.msk $0xffff, v4  }
0x5b: {  	v4 =	vadd.s32 s25, v2;
	v3 =	vld [tilespmem:s17+$0xFFFFFE80];
	_ =	sdelay $0x4  }
0x5c: {  	s26 =	simm.s32 $0x2;
	[tilespmem:v4+s10+$0x0] =	vst.idx.msk $0xffff, v3  }
0x5d: {  	v4 =	vadd.s32 s26, v2;
	v3 =	vld [tilespmem:s17+$0xFFFFFF00];
	_ =	sdelay $0x4  }
0x5e: {  	s28 =	simm.s32 $0x3;
	[tilespmem:v4+s10+$0x0] =	vst.idx.msk $0xffff, v3  }
0x5f: {  	v4 =	vadd.s32 s28, v2;
	v3 =	vld [tilespmem:s17+$0xFFFFFF80];
	_ =	sdelay $0x4  }
0x60: {  	s29 =	simm.s32 $0x4;
	[tilespmem:v4+s10+$0x0] =	vst.idx.msk $0xffff, v3  }
0x61: {  	v4 =	vadd.s32 s29, v2;
	v3 =	vld [tilespmem:s17+$0x0];
	_ =	sdelay $0x4  }
0x62: {  	s30 =	simm.s32 $0x5;
	[tilespmem:v4+s10+$0x0] =	vst.idx.msk $0xffff, v3  }
0x63: {  	v4 =	vadd.s32 s30, v2;
	v3 =	vld [tilespmem:s17+$0x80];
	_ =	sdelay $0x4  }
0x64: {  	s31 =	simm.s32 $0x6;
	[tilespmem:v4+s10+$0x0] =	vst.idx.msk $0xffff, v3  }
0x65: {  	v4 =	vadd.s32 s31, v2;
	v3 =	vld [tilespmem:s17+$0x100];
	_ =	sdelay $0x4  }
0x66: {  	s19 =	simm.s32 $0x7;
	[tilespmem:v4+s10+$0x0] =	vst.idx.msk $0xffff, v3  }
0x67: {  	v4 =	vadd.s32 s19, v2;
	v3 =	vld [tilespmem:s17+$0x180];
	_ =	sdelay $0x1  }
0x68: {  	s21 =	simm.s32 $0x8  }
0x69: {  	s20 =	simm.s32 $0x17;
	s18 =	simm.s32 $0xF;
	s19 =	smov.u32 s17  }
.LBB2_7:
0x6a: {  	p0 =	sne.s32 s20, $0x3F;
	v5 =	vadd.s32 s21, v2  }
0x6b: {  	s19 =	sadd.s32 $0x400, s19;
	v5 =	vand.u32 $0x7FFFFFF8, v5;
	[tilespmem:v4+s10+$0x0] =	vst.idx.msk $0xffff, v3  }
0x6c: {  	v3 =	vld [tilespmem:s19+$0xFFFFFE00];
	v4 =	vor.u32 v1, v5;
	_ =	sdelay $0x4  }
0x6d: {  	s21 =	sadd.s32 $0xFFFFFFFA, s18;
	[tilespmem:v4+s10+$0x0] =	vst.idx.msk $0xffff, v3  }
0x6e: {  	v4 =	vadd.s32 s21, v2;
	v3 =	vld [tilespmem:s19+$0xFFFFFE80];
	_ =	sdelay $0x4  }
0x6f: {  	s21 =	sadd.s32 $0xFFFFFFFB, s18;
	[tilespmem:v4+s10+$0x0] =	vst.idx.msk $0xffff, v3  }
0x70: {  	v4 =	vadd.s32 s21, v2;
	v3 =	vld [tilespmem:s19+$0xFFFFFF00];
	_ =	sdelay $0x4  }
0x71: {  	s21 =	sadd.s32 $0xFFFFFFFC, s18;
	[tilespmem:v4+s10+$0x0] =	vst.idx.msk $0xffff, v3  }
0x72: {  	v4 =	vadd.s32 s21, v2;
	v3 =	vld [tilespmem:s19+$0xFFFFFF80];
	_ =	sdelay $0x4  }
0x73: {  	s21 =	sadd.s32 $0xFFFFFFFD, s18;
	[tilespmem:v4+s10+$0x0] =	vst.idx.msk $0xffff, v3  }
0x74: {  	v4 =	vadd.s32 s21, v2;
	v3 =	vld [tilespmem:s19+$0x0];
	_ =	sdelay $0x4  }
0x75: {  	s21 =	sadd.s32 $0xFFFFFFFE, s18;
	[tilespmem:v4+s10+$0x0] =	vst.idx.msk $0xffff, v3  }
0x76: {  	v4 =	vadd.s32 s21, v2;
	v3 =	vld [tilespmem:s19+$0x80];
	_ =	sdelay $0x4  }
0x77: {  	s21 =	sadd.s32 $0xFFFFFFFF, s18;
	[tilespmem:v4+s10+$0x0] =	vst.idx.msk $0xffff, v3  }
0x78: {  	v4 =	vadd.s32 s21, v2;
	v3 =	vld [tilespmem:s19+$0x100];
	_ =	sdelay $0x4  }
.Ltmp2:
0x79: {  	[tilespmem:v4+s10+$0x0] =	vst.idx.msk $0xffff, v3;
	(pc) =	sbr.rel @p0 .LBB2_7-.Ltmp2, $2  }
0x7a: {  	v4 =	vadd.s32 s18, v2;
	s18 =	smov.u32 s20;
	v3 =	vld [tilespmem:s19+$0x180];
	_ =	sdelay $0x2  }
0x7b: {  	s20 =	sadd.s32 $0x8, s20;
	s21 =	sadd.s32 $0xFFFFFFF9, s18  }
0x7c: {  	_ =	sdelay $0x2  }
0x7d: {  	v5 =	vadd.s32 s21, v2  }
0x7e: {  	s19 =	sadd.s32 $0x400, s19;
	v5 =	vand.u32 $0x7FFFFFF8, v5;
	[tilespmem:v4+s10+$0x0] =	vst.idx.msk $0xffff, v3  }
0x7f: {  	v3 =	vld [tilespmem:s19+$0xFFFFFE00];
	v57 =	vor.u32 v1, v5;
	_ =	sdelay $0x4  }
0x80: {  	s20 =	sadd.s32 $0xFFFFFFFA, s18;
	[tilespmem:v57+s10+$0x0] =	vst.idx.msk $0xffff, v3  }
0x81: {  	v58 =	vadd.s32 s20, v2;
	v3 =	vld [tilespmem:s19+$0xFFFFFE80];
	_ =	sdelay $0x4  }
0x82: {  	s26 =	sadd.s32 $0xFFFFFFFB, s18;
	[tilespmem:v58+s10+$0x0] =	vst.idx.msk $0xffff, v3  }
0x83: {  	v59 =	vadd.s32 s26, v2;
	v3 =	vld [tilespmem:s19+$0xFFFFFF00];
	_ =	sdelay $0x4  }
0x84: {  	s28 =	sadd.s32 $0xFFFFFFFC, s18;
	[tilespmem:v59+s10+$0x0] =	vst.idx.msk $0xffff, v3  }
0x85: {  	v60 =	vadd.s32 s28, v2;
	v3 =	vld [tilespmem:s19+$0xFFFFFF80];
	_ =	sdelay $0x4  }
0x86: {  	s29 =	sadd.s32 $0xFFFFFFFD, s18;
	[tilespmem:v60+s10+$0x0] =	vst.idx.msk $0xffff, v3  }
0x87: {  	v61 =	vadd.s32 s29, v2;
	v3 =	vld [tilespmem:s19+$0x0];
	_ =	sdelay $0x4  }
0x88: {  	s30 =	sadd.s32 $0xFFFFFFFE, s18;
	[tilespmem:v61+s10+$0x0] =	vst.idx.msk $0xffff, v3  }
0x89: {  	v62 =	vadd.s32 s30, v2;
	v3 =	vld [tilespmem:s19+$0x80];
	_ =	sdelay $0x4  }
0x8a: {  	s31 =	sadd.s32 $0xFFFFFFFF, s18;
	[tilespmem:v62+s10+$0x0] =	vst.idx.msk $0xffff, v3  }
0x8b: {  	v63 =	vadd.s32 s31, v2;
	v3 =	vld [tilespmem:s19+$0x100];
	_ =	sdelay $0x4  }
0x8c: {  	s16 =	sadd.s32 $0x1, s16;
	[tilespmem:v63+s10+$0x0] =	vst.idx.msk $0xffff, v3  }
0x8d: {  	v2 =	vadd.s32 s18, v2;
	p0 =	sne.s32 s16, $0x8;
	v3 =	vld [tilespmem:s19+$0x180]  }
.Ltmp3:
0x8e: {  	_ = 	snop;
	(pc) =	sbr.rel @p0 .LBB2_6-.Ltmp3, $2  }
0x8f: {  	_ =	sdelay $0x2  }
0x90: {  	s17 =	sadd.s32 $0x10, s17;
	[tilespmem:v2+s10+$0x0] =	vst.idx.msk $0xffff, v3  }
0x91: {  	_ =	swait.ge [sflag:s11], $0x10000  }
0x92: {  	s16 =	simm.s32 $0x0;
	[sflag:s11] =	ssyncset.done $0x0  }
0x93: {  	s17 =	simm.s32 $0x0;
	s18 =	simm.s32 $0x0;
	[sflag:s11] =	ssyncadd.s32 $0xFFFF0000  }
.LBB2_10:
0x94: {  	s19 =	sand.u32 $0x3FFFFFF0, s17  }
0x95: {  	s29 =	sadd.s32 $0x12081, s19  }
0x96: {  	v2 =	vld [tilespmem:s29+$0x0];
	_ =	sdelay $0x1  }
0x97: {  	s26 =	sand.u32 $0xFFFFFFF0, s17  }
0x98: {  	[dreg:$0x4] =	wrdreg s26  }
0x99: {  	s22 =	sand.u32 $0x6, s16;
	s31 =	simm.s32 $0x102;
	s19 =	rddreg [dreg:$0x4]  }
0x9a: {  	s31 =	sand.u32 $0x6, s31;
	s30 =	rddreg [dreg:$0x4];
	s20 =	sadd.s32 $0x0, s19;
	v3 =	vshrl.u32 v2, $0x10  }
0x9b: {  	s29 =	sadd.s32 $0x102, s29;
	s30 =	sadd.s32 $0x102, s30;
	s20 =	sand.u32 $0x7FF8, s20;
	v2 =	vand.u32 $0xFFFF, v2  }
0x9c: {  	s19 =	sand.u32 $0x3, s18;
	v23 =	vld [tilespmem:s29+$0x0];
	s30 =	sand.u32 $0x7FF8, s30;
	s20 =	sor.u32 s22, s20  }
0x9d: {  	s21 =	sshll.u32 s19, $0xE;
	s30 =	sor.u32 s31, s30;
	v4 =	vld [tilespmem:s20+$0x12000]  }
0x9e: {  	s22 =	sor.u32 $0x1800, s21;
	v34 =	vld [tilespmem:s30+$0x12000]  }
0x9f: {  	v5 =	vld.idx.msk [tilespmem:v3+s22+$0x0], $0xffff  }
0xa0: {  	s23 =	sor.u32 $0x1000, s21;
	v6 =	vld.idx.msk [tilespmem:v2+s22+$0x0], $0xffff  }
0xa1: {  	s24 =	sor.u32 $0x2800, s21;
	v7 =	vld.idx.msk [tilespmem:v3+s23+$0x0], $0xffff  }
0xa2: {  	v8 =	vld.idx.msk [tilespmem:v3+s24+$0x0], $0xffff  }
0xa3: {  	v9 =	vld.idx.msk [tilespmem:v2+s23+$0x0], $0xffff  }
0xa4: {  	v10 =	vld.idx.msk [tilespmem:v2+s24+$0x0], $0xffff  }
0xa5: {  	s20 =	sor.u32 $0x800, s21;
	v11 =	vld.idx.msk [tilespmem:v3+s21+$0x0], $0xffff  }
0xa6: {  	s25 =	sor.u32 $0x3000, s21;
	v13 =	vld.idx.msk [tilespmem:v3+s20+$0x0], $0xffff  }
0xa7: {  	v14 =	vld.idx.msk [tilespmem:v2+s25+$0x0], $0xffff  }
0xa8: {  	s26 =	sor.u32 $0x3800, s21;
	v15 =	vld.idx.msk [tilespmem:v2+s21+$0x0], $0xffff  }
0xa9: {  	v16 =	vld.idx.msk [tilespmem:v2+s26+$0x0], $0xffff  }
0xaa: {  	s28 =	sor.u32 $0x2000, s21;
	v33 =	vand.u32 $0xFFFF, v23;
	v17 =	vld.idx.msk [tilespmem:v3+s26+$0x0], $0xffff  }
0xab: {  	v25 =	vld.idx.msk [tilespmem:v3+s28+$0x0], $0xffff  }
0xac: {  	v12 =	vshrl.u32 v4, $0x10;
	v3 =	vld.idx.msk [tilespmem:v3+s25+$0x0], $0xffff  }
0xad: {  	v4 =	vand.u32 $0xFFFF, v4;
	v26 =	vld.idx.msk [tilespmem:v2+s20+$0x0], $0xffff  }
0xae: {  	v2 =	vld.idx.msk [tilespmem:v2+s28+$0x0], $0xffff  }
0xaf: {  	v50 =	vld.idx.msk [tilespmem:v33+s25+$0x0], $0xffff  }
0xb0: {  	v51 =	vld.idx.msk [tilespmem:v33+s21+$0x0], $0xffff  }
0xb1: {  	v18 =	vld.idx.msk [tilespmem:v12+s22+$0x0], $0xffff  }
0xb2: {  	v19 =	vld.idx.msk [tilespmem:v4+s22+$0x0], $0xffff  }
0xb3: {  	v20 =	vld.idx.msk [tilespmem:v12+s20+$0x0], $0xffff  }
0xb4: {  	v21 =	vld.idx.msk [tilespmem:v12+s23+$0x0], $0xffff  }
0xb5: {  	v22 =	vld.idx.msk [tilespmem:v12+s24+$0x0], $0xffff  }
0xb6: {  	v24 =	vld.idx.msk [tilespmem:v4+s23+$0x0], $0xffff  }
0xb7: {  	v27 =	vld.idx.msk [tilespmem:v12+s26+$0x0], $0xffff  }
0xb8: {  	v28 =	vld.idx.msk [tilespmem:v4+s24+$0x0], $0xffff  }
0xb9: {  	v29 =	vld.idx.msk [tilespmem:v4+s26+$0x0], $0xffff  }
0xba: {  	v30 =	vld.idx.msk [tilespmem:v4+s21+$0x0], $0xffff  }
0xbb: {  	v31 =	vld.idx.msk [tilespmem:v4+s28+$0x0], $0xffff;
	v5 =	vmul.f32 v5, v6  }
0xbc: {  	v32 =	vld.idx.msk [tilespmem:v12+s25+$0x0], $0xffff;
	v7 =	vmul.f32 v7, v9;
	v11 =	vmul.f32 v11, v15  }
0xbd: {  	v8 =	vmul.f32 v8, v10;
	v13 =	vmul.f32 v13, v26;
	v26 =	vld.idx.msk [tilespmem:v33+s24+$0x0], $0xffff  }
0xbe: {  	v2 =	vmul.f32 v25, v2;
	v25 =	vand.u32 $0xFFFF, v34;
	v6 =	vmul.f32 v18, v19;
	v18 =	vld.idx.msk [tilespmem:v12+s28+$0x0], $0xffff  }
0xbf: {  	v16 =	vmul.f32 v17, v16;
	v19 =	vshrl.u32 v23, $0x10;
	v12 =	vld.idx.msk [tilespmem:v12+s21+$0x0], $0xffff;
	v9 =	vmul.f32 v21, v24  }
0xc0: {  	v24 =	vmul.f32 v27, v29;
	v5 =	vmul.f32 v5, v6;
	v6 =	vld.idx.msk [tilespmem:v4+s25+$0x0], $0xffff  }
0xc1: {  	v3 =	vmul.f32 v3, v14;
	v4 =	vld.idx.msk [tilespmem:v4+s20+$0x0], $0xffff;
	v7 =	vmul.f32 v7, v9  }
0xc2: {  	v17 =	vmul.f32 v22, v28;
	v9 =	vld.idx.msk [tilespmem:v33+s22+$0x0], $0xffff;
	v16 =	vmul.f32 v16, v24  }
0xc3: {  	v24 =	vld.idx.msk [tilespmem:v25+s23+$0x0], $0xffff;
	v5 =	vmul.f32 $1.000000000e+02, v5;
	v7 =	vmul.f32 $1.000000000e+02, v7  }
0xc4: {  	v23 =	vimm.f32 $0.0e+00;
	v28 =	vshrl.u32 v34, $0x10;
	v8 =	vmul.f32 v8, v17;
	v15 =	vld.idx.msk [tilespmem:v19+s22+$0x0], $0xffff  }
0xc5: {  	v14 =	vld.idx.msk [tilespmem:v19+s23+$0x0], $0xffff;
	v18 =	vmul.f32 v18, v31;
	v21 =	vmax.f32 v23, v5;
	v17 =	vmax.f32 v23, v7  }
0xc6: {  	v8 =	vmul.f32 $1.000000000e+02, v8;
	v22 =	vld.idx.msk [tilespmem:v19+s24+$0x0], $0xffff;
	v10 =	vsub.f32 v23, v21;
	v27 =	vsub.f32 v23, v17  }
0xc7: {  	v29 =	vld.idx.msk [tilespmem:v19+s21+$0x0], $0xffff;
	v7 =	vsub.f32 v7, v17;
	v6 =	vmul.f32 v32, v6;
	v2 =	vmul.f32 v2, v18  }
0xc8: {  	v31 =	vld.idx.msk [tilespmem:v19+s20+$0x0], $0xffff;
	v35 =	vmax.f32 v23, v8;
	v4 =	vmul.f32 v20, v4;
	v10 =	vmul.f32 $1.442695020e+00, v10  }
0xc9: {  	v39 =	vld.idx.msk [tilespmem:v19+s28+$0x0], $0xffff;
	v8 =	vsub.f32 v8, v35;
	v27 =	vmul.f32 $1.442695020e+00, v27;
	v7 =	vmul.f32 $1.442695020e+00, v7  }
0xca: {  	v18 =	vld.idx.msk [tilespmem:v33+s26+$0x0], $0xffff;
	v5 =	vsub.f32 v5, v21;
	v3 =	vmul.f32 v3, v6;
	(erf) = vpow2.f32 v10  }
0xcb: {  	v6 =	vld.idx.msk [tilespmem:v28+s22+$0x0], $0xffff;
	v8 =	vmul.f32 $1.442695020e+00, v8;
	(erf) = vpow2.f32 v27  }
0xcc: {  	v5 =	vmul.f32 $1.442695020e+00, v5;
	v10 =	vld.idx.msk [tilespmem:v33+s23+$0x0], $0xffff;
	v27 =	vsub.f32 v23, v35;
	(erf) = vpow2.f32 v7  }
0xcd: {  	v7 =	vmul.f32 v12, v30;
	v12 =	vmul.f32 $1.000000000e+02, v2;
	v2 =	vld.idx.msk [tilespmem:v25+s22+$0x0], $0xffff  }
0xce: {  	v4 =	vmul.f32 v13, v4;
	v37 =	vmul.f32 $1.442695020e+00, v27;
	v27 =	vld.idx.msk [tilespmem:v19+s26+$0x0], $0xffff  }
0xcf: {  	v9 =	vmul.f32 v15, v9;
	v15 =	vld.idx.msk [tilespmem:v28+s24+$0x0], $0xffff;
	v32 =	vmul.f32 v29, v51  }
0xd0: {  	v36 =	vmul.f32 $1.000000000e+02, v3;
	v3 =	vmax.f32 v23, v12;
	v7 =	vmul.f32 v11, v7;
	v11 =	vld.idx.msk [tilespmem:v28+s23+$0x0], $0xffff  }
0xd1: {  	v4 =	vmul.f32 $1.000000000e+02, v4;
	v38 =	vsub.f32 v23, v3;
	v10 =	vmul.f32 v14, v10;
	v14 =	vld.idx.msk [tilespmem:v19+s25+$0x0], $0xffff  }
0xd2: {  	v19 =	vmul.f32 v22, v26;
	v26 =	vld.idx.msk [tilespmem:v25+s24+$0x0], $0xffff;
	v6 =	vmul.f32 v6, v2  }
0xd3: {  	v22 =	vld.idx.msk [tilespmem:v33+s20+$0x0], $0xffff;
	v38 =	vmul.f32 $1.442695020e+00, v38;
	v40 =	vmul.f32 v27, v18  }
0xd4: {  	v30 =	vpop (erf);
	v6 =	vmul.f32 v9, v6;
	v9 =	vsub.f32 v12, v3;
	v12 =	vmul.f32 $1.000000000e+02, v16  }
0xd5: {  	v20 =	vld.idx.msk [tilespmem:v25+s26+$0x0], $0xffff;
	(erf) = vpow2.f32 v38;
	v30 =	vmul.f32 v30, v23  }
0xd6: {  	v29 =	vld.idx.msk [tilespmem:v28+s28+$0x0], $0xffff;
	v2 =	vmax.f32 v23, v36;
	v52 =	vmul.f32 $1.000000000e+02, v6;
	v6 =	vmul.f32 v11, v24  }
0xd7: {  	s31 =	sadd.s32 $0x102, s29;
	v18 =	vsub.f32 v23, v2;
	v16 =	vld.idx.msk [tilespmem:v28+s26+$0x0], $0xffff;
	v14 =	vmul.f32 v14, v50;
	v15 =	vmul.f32 v15, v26  }
0xd8: {  	v27 =	vsub.f32 v36, v2;
	v10 =	vmul.f32 v10, v6;
	v6 =	vmul.f32 v31, v22;
	v31 =	vld [tilespmem:s31+$0x0]  }
0xd9: {  	v54 =	vpop (erf);
	v11 =	vmul.f32 $1.442695020e+00, v18;
	v9 =	vmul.f32 $1.442695020e+00, v9;
	v18 =	vld.idx.msk [tilespmem:v25+s28+$0x0], $0xffff  }
0xda: {  	s29 =	rddreg [dreg:$0x4];
	v41 =	vld.idx.msk [tilespmem:v25+s20+$0x0], $0xffff;
	v36 =	vmul.f32 v54, v23;
	v24 =	vmax.f32 v21, v52;
	v22 =	vmul.f32 $1.442695020e+00, v27  }
0xdb: {  	s30 =	simm.s32 $0x204;
	s29 =	sadd.s32 $0x204, s29;
	v33 =	vld.idx.msk [tilespmem:v33+s28+$0x0], $0xffff;
	(erf) = vpow2.f32 v11;
	v11 =	vmul.f32 v19, v15;
	v21 =	vsub.f32 v21, v24  }
0xdc: {  	s29 =	sand.u32 $0x7FF8, s29;
	s30 =	sand.u32 $0x6, s30;
	v26 =	vld.idx.msk [tilespmem:v25+s25+$0x0], $0xffff;
	v27 =	vmax.f32 v23, v12;
	v16 =	vmul.f32 v16, v20;
	v10 =	vmul.f32 $1.000000000e+02, v10  }
0xdd: {  	s29 =	sor.u32 s30, s29;
	v15 =	vld.idx.msk [tilespmem:v28+s25+$0x0], $0xffff;
	(erf) = vpow2.f32 v9;
	v21 =	vmul.f32 $1.442695020e+00, v21;
	v34 =	vshrl.u32 v31, $0x10  }
0xde: {  	v13 =	vld [tilespmem:s29+$0x12000];
	v18 =	vmul.f32 v29, v18;
	v9 =	vmax.f32 v17, v10;
	v29 =	vand.u32 $0xFFFF, v31  }
0xdf: {  	v19 =	vld.idx.msk [tilespmem:v25+s21+$0x0], $0xffff;
	v58 =	vsub.f32 v23, v27;
	v53 =	vmul.f32 $1.000000000e+02, v11;
	v17 =	vsub.f32 v17, v9  }
0xe0: {  	v20 =	vld.idx.msk [tilespmem:v28+s20+$0x0], $0xffff;
	v38 =	vsub.f32 v52, v24;
	v40 =	vmul.f32 v40, v16;
	(erf) = vpow2.f32 v21  }
0xe1: {  	v11 =	vmax.f32 v35, v53;
	(erf) = vpow2.f32 v5;
	v5 =	vmul.f32 $1.442695020e+00, v17;
	v17 =	vld.idx.msk [tilespmem:v28+s21+$0x0], $0xffff  }
0xe2: {  	v21 =	vmul.f32 v39, v33;
	v31 =	vsub.f32 v12, v27;
	v12 =	vmul.f32 v15, v26;
	v25 =	vld.idx.msk [tilespmem:v34+s22+$0x0], $0xffff  }
0xe3: {  	v10 =	vsub.f32 v10, v9;
	(erf) = vpow2.f32 v22;
	v28 =	vmul.f32 $1.000000000e+02, v7;
	v55 =	vld.idx.msk [tilespmem:v29+s22+$0x0], $0xffff  }
0xe4: {  	v22 =	vsub.f32 v35, v11;
	v14 =	vmul.f32 v14, v12;
	v15 =	vmul.f32 v21, v18;
	v42 =	vld.idx.msk [tilespmem:v34+s23+$0x0], $0xffff  }
0xe5: {  	v39 =	vpop (erf);
	v21 =	vshrl.u32 v13, $0x10;
	v31 =	vmul.f32 $1.442695020e+00, v31;
	v35 =	vmul.f32 $1.442695020e+00, v38;
	v43 =	vld.idx.msk [tilespmem:v34+s24+$0x0], $0xffff  }
0xe6: {  	v7 =	vpop (erf);
	v13 =	vand.u32 $0xFFFF, v13;
	(erf) = vpow2.f32 v5;
	v5 =	vmul.f32 $1.442695020e+00, v10;
	v45 =	vld.idx.msk [tilespmem:v29+s23+$0x0], $0xffff  }
0xe7: {  	v7 =	vmul.f32 v7, v23;
	v12 =	vmax.f32 v23, v28;
	v44 =	vmul.f32 $1.000000000e+02, v15;
	v46 =	vld.idx.msk [tilespmem:v29+s24+$0x0], $0xffff  }
0xe8: {  	v56 =	vpop (erf);
	v14 =	vmul.f32 $1.000000000e+02, v14;
	v26 =	vsub.f32 v23, v12;
	v57 =	vld.idx.msk [tilespmem:v34+s21+$0x0], $0xffff;
	(erf) = vpow2.f32 v5  }
0xe9: {  	v10 =	vsub.f32 v53, v11;
	v50 =	vld.idx.msk [tilespmem:v34+s20+$0x0], $0xffff;
	v51 =	vmul.f32 v56, v23;
	v5 =	vmul.f32 v17, v19  }
0xea: {  	v15 =	vmax.f32 v23, v4;
	v59 =	vld.idx.msk [tilespmem:v29+s21+$0x0], $0xffff;
	v19 =	vpop (erf);
	v17 =	vmul.f32 $1.442695020e+00, v22;
	v48 =	vmul.f32 $1.442695020e+00, v26  }
0xeb: {  	v4 =	vsub.f32 v4, v15;
	v49 =	vld.idx.msk [tilespmem:v29+s26+$0x0], $0xffff;
	v18 =	vpop (erf);
	v26 =	vmul.f32 v32, v5;
	v32 =	vmul.f32 $1.442695020e+00, v58  }
0xec: {  	v22 =	vsub.f32 v23, v15;
	v54 =	vld.idx.msk [tilespmem:v21+s22+$0x0], $0xffff;
	v47 =	vpop (erf);
	(erf) = vpow2.f32 v37;
	v33 =	vmul.f32 v25, v55  }
0xed: {  	v25 =	vld.idx.msk [tilespmem:v34+s26+$0x0], $0xffff;
	v55 =	vmul.f32 v42, v45;
	v5 =	vadd.f32 v30, v47;
	(erf) = vpow2.f32 v8  }
0xee: {  	v42 =	vld.idx.msk [tilespmem:v34+s28+$0x0], $0xffff;
	v8 =	vmul.f32 $1.442695020e+00, v22;
	v22 =	vmul.f32 $1.442695020e+00, v10  }
0xef: {  	v34 =	vld.idx.msk [tilespmem:v34+s25+$0x0], $0xffff;
	v10 =	vmul.f32 $1.442695020e+00, v4;
	v52 =	vpop (erf);
	v5 =	vmul.f32 v18, v5;
	v18 =	vmax.f32 v3, v44  }
0xf0: {  	v30 =	vld.idx.msk [tilespmem:v29+s25+$0x0], $0xffff;
	v47 =	vmul.f32 v20, v41;
	(erf) = vpow2.f32 v48;
	v0 =	vpop (erf);
	v53 =	vsub.f32 v3, v18  }
0xf1: {  	v60 =	vld.idx.msk [tilespmem:v13+s22+$0x0], $0xffff;
	[tilespmem:$0x1FFC0] =	vst v0;
	v63 =	vsub.f32 v44, v18;
	v44 =	vmul.f32 v43, v46;
	v0 =	vpop (erf);
	(erf) = vpow2.f32 v8  }
0xf2: {  	v56 =	vld.idx.msk [tilespmem:v13+s23+$0x0], $0xffff;
	v8 =	vsub.f32 v28, v12;
	v28 =	vmul.f32 v57, v59;
	v25 =	vmul.f32 v25, v49  }
0xf3: {  	v37 =	vld.idx.msk [tilespmem:v21+s23+$0x0], $0xffff;
	v59 =	vmul.f32 $1.000000000e+02, v40;
	v53 =	vmul.f32 $1.442695020e+00, v53  }
0xf4: {  	v7 =	vadd.f32 v7, v19;
	v46 =	vld.idx.msk [tilespmem:v29+s20+$0x0], $0xffff;
	(erf) = vpow2.f32 v32;
	v49 =	vmul.f32 $1.442695020e+00, v63  }
0xf5: {  	v16 =	vld.idx.msk [tilespmem:v21+s20+$0x0], $0xffff;
	v19 =	vmax.f32 v2, v14;
	v45 =	vmul.f32 v34, v30;
	v48 =	vmul.f32 $1.442695020e+00, v8  }
0xf6: {  	v58 =	vld.idx.msk [tilespmem:v21+s24+$0x0], $0xffff;
	v2 =	vsub.f32 v2, v19;
	(erf) = vpow2.f32 v10;
	v10 =	vmul.f32 v54, v60  }
0xf7: {  	v40 =	vld.idx.msk [tilespmem:v29+s28+$0x0], $0xffff;
	v8 =	vadd.f32 v51, v52;
	v20 =	vmax.f32 v27, v59;
	v61 =	vpop (erf);
	(erf) = vpow2.f32 v31  }
0xf8: {  	v29 =	vmovc v18;
	v32 =	vsub.f32 v27, v20;
	v27 =	vmul.f32 v37, v56;
	v33 =	vmul.f32 v33, v10  }
0xf9: {  	v31 =	vsub.f32 v14, v19;
	v43 =	vmul.f32 v50, v46;
	v62 =	vmul.f32 v61, v23;
	v61 =	vld.idx.msk [tilespmem:v13+s24+$0x0], $0xffff  }
0xfa: {  	v34 =	vmovc v9;
	v30 =	vmovc v12;
	v14 =	vadd.f32 v36, v39;
	(erf) = vpow2.f32 v48;
	v56 =	vmul.f32 v55, v27  }
0xfb: {  	v41 =	vld.idx.msk [tilespmem:v13+s21+$0x0], $0xffff;
	v46 =	vsub.f32 v59, v20;
	v57 =	vpop (erf);
	(erf) = vpow2.f32 v53;
	v53 =	vmul.f32 $1.442695020e+00, v2  }
0xfc: {  	v52 =	vld.idx.msk [tilespmem:v13+s26+$0x0], $0xffff;
	v60 =	vpop (erf);
	v33 =	vmul.f32 $1.000000000e+02, v33;
	v50 =	vmul.f32 $1.442695020e+00, v31;
	v10 =	vadd.f32 v62, v57  }
0xfd: {  	v54 =	vld.idx.msk [tilespmem:v13+s28+$0x0], $0xffff;
	v39 =	vmul.f32 v60, v23;
	v27 =	vmov v19;
	v31 =	vmov v15;
	v2 =	vpop (erf)  }
0xfe: {  	v51 =	vld.idx.msk [tilespmem:v13+s25+$0x0], $0xffff;
	v62 =	vmul.f32 v2, v23;
	v63 =	vpop (erf);
	v2 =	vmax.f32 v24, v33;
	v58 =	vmul.f32 v58, v61  }
0xff: {  	s29 =	sshll.u32 s18, $0x2;
	v48 =	vld.idx.msk [tilespmem:v21+s26+$0x0], $0xffff;
	v38 =	vmul.f32 v63, v23;
	v57 =	vsub.f32 v24, v2;
	v36 =	vsub.f32 v33, v2;
	v23 =	vpop (erf)  }
0x100: {  	s30 =	simm.s32 $0x306;
	s29 =	sand.u32 $0x7FFFFFF0, s29;
	s31 =	sadd.s32 $0x102, s31;
	[tilespmem:$0x1FFD0] =	vst v0;
	v55 =	vld.idx.msk [tilespmem:v21+s28+$0x0], $0xffff;
	v33 =	vmov v11;
	v24 =	vmov v20;
	v23 =	vadd.f32 v62, v23;
	v37 =	vpop (erf)  }
.LBB2_11:
0x101: {  	v59 =	vld [tilespmem:s31+$0x0]  }
0x102: {  	(erf) = vpow2.f32 v53;
	v47 =	vmul.f32 v6, v47  }
0x103: {  	v57 =	vmul.f32 $1.442695020e+00, v57;
	v56 =	vmul.f32 $1.000000000e+02, v56  }
0x104: {  	v44 =	vmul.f32 v44, v58;
	v46 =	vmul.f32 $1.442695020e+00, v46;
	v53 =	vpop (erf)  }
0x105: {  	s0 =	rddreg [dreg:$0x4];
	s1 =	smov.u32 s30;
	v47 =	vmul.f32 $1.000000000e+02, v47;
	v60 =	vpop (erf);
	(erf) = vpow2.f32 v49;
	v9 =	vmax.f32 v9, v56  }
0x106: {  	v61 =	vld.idx.msk [tilespmem:v21+s21+$0x0], $0xffff;
	s0 =	sadd.s32 s1, s0;
	v52 =	vmul.f32 v48, v52;
	v62 =	vsub.f32 v34, v9;
	v48 =	vshrl.u32 v59, $0x10  }
0x107: {  	v58 =	vld.idx.msk [tilespmem:v21+s25+$0x0], $0xffff;
	s1 =	sand.u32 $0x6, s1;
	s0 =	sand.u32 $0x7FF8, s0;
	(erf) = vpow2.f32 v57;
	v42 =	vmul.f32 v42, v40;
	v40 =	vand.u32 $0xFFFF, v59  }
0x108: {  	v39 =	vadd.f32 v39, v53;
	s0 =	sor.u32 s1, s0;
	v53 =	vld.idx.msk [tilespmem:v13+s20+$0x0], $0xffff;
	(erf) = vpow2.f32 v35;
	v0 =	vmul.f32 $1.442695020e+00, v62  }
0x109: {  	v44 =	vmul.f32 $1.000000000e+02, v44;
	v63 =	vld [tilespmem:s0+$0x12000];
	(erf) = vpow2.f32 v50  }
0x10a: {  	v49 =	vmul.f32 v55, v54;
	v21 =	vsub.f32 v56, v9;
	(erf) = vpow2.f32 v0;
	v0 =	vld [tilespmem:$0x1FFC0]  }
0x10b: {  	v7 =	vmul.f32 v60, v7;
	v15 =	vmax.f32 v15, v47;
	v11 =	vmax.f32 v11, v44;
	v56 =	vld.idx.msk [tilespmem:v48+s22+$0x0], $0xffff  }
0x10c: {  	v6 =	vmovc v43;
	v4 =	vsub.f32 v47, v15;
	v62 =	vmul.f32 v58, v51;
	v51 =	vmul.f32 $1.000000000e+02, v26;
	v43 =	vld.idx.msk [tilespmem:v40+s22+$0x0], $0xffff  }
0x10d: {  	v55 =	vsub.f32 v33, v11;
	v26 =	vmul.f32 $1.442695020e+00, v21;
	v42 =	vmul.f32 v42, v49;
	v50 =	vld.idx.msk [tilespmem:v48+s23+$0x0], $0xffff  }
0x10e: {  	v44 =	vsub.f32 v44, v11;
	v52 =	vmul.f32 v25, v52;
	v25 =	vmul.f32 $1.442695020e+00, v32;
	v58 =	vld.idx.msk [tilespmem:v48+s24+$0x0], $0xffff  }
0x10f: {  	v1 =	vmul.f32 $1.442695020e+00, v4;
	v45 =	vmul.f32 v45, v62;
	v21 =	vshrl.u32 v63, $0x10;
	v49 =	vld.idx.msk [tilespmem:v40+s24+$0x0], $0xffff  }
0x110: {  	v12 =	vmax.f32 v12, v51;
	v35 =	vmul.f32 $1.000000000e+02, v42;
	v4 =	vmul.f32 $1.000000000e+02, v52;
	v54 =	vpop (erf);
	v60 =	vld.idx.msk [tilespmem:v48+s21+$0x0], $0xffff  }
0x111: {  	v13 =	vand.u32 $0xFFFF, v63;
	v51 =	vsub.f32 v51, v12;
	v62 =	vld.idx.msk [tilespmem:v48+s20+$0x0], $0xffff;
	v63 =	vpop (erf);
	(erf) = vpow2.f32 v26  }
0x112: {  	v42 =	vmul.f32 $1.000000000e+02, v45;
	v45 =	vsub.f32 v30, v12;
	v47 =	vld.idx.msk [tilespmem:v40+s21+$0x0], $0xffff;
	v8 =	vmul.f32 v54, v8  }
0x113: {  	v18 =	vmax.f32 v18, v35;
	v51 =	vmul.f32 $1.442695020e+00, v51;
	v26 =	vmul.f32 v61, v41;
	v41 =	vld.idx.msk [tilespmem:v40+s23+$0x0], $0xffff;
	v57 =	vpop (erf)  }
0x114: {  	v45 =	vmul.f32 $1.442695020e+00, v45;
	v7 =	vadd.f32 v7, v63;
	v59 =	vpop (erf);
	(erf) = vpow2.f32 v17;
	v54 =	vld.idx.msk [tilespmem:v21+s22+$0x0], $0xffff  }
0x115: {  	v14 =	vmul.f32 v0, v14;
	v0 =	vsub.f32 v35, v18;
	v32 =	vld.idx.msk [tilespmem:v21+s20+$0x0], $0xffff;
	v61 =	vpop (erf);
	(erf) = vpow2.f32 v22  }
0x116: {  	v17 =	vmul.f32 $1.442695020e+00, v55;
	v55 =	vsub.f32 v31, v15;
	v26 =	vmul.f32 v28, v26;
	v52 =	vld.idx.msk [tilespmem:v13+s26+$0x0], $0xffff;
	v63 =	vpop (erf)  }
0x117: {  	v35 =	vmul.f32 $1.442695020e+00, v36;
	v28 =	vsub.f32 v29, v18;
	v5 =	vadd.f32 v5, v59;
	v59 =	vld.idx.msk [tilespmem:v40+s25+$0x0], $0xffff;
	v3 =	vmovc v63  }
0x118: {  	v22 =	vmul.f32 $1.442695020e+00, v44;
	v43 =	vmul.f32 v56, v43;
	[tilespmem:$0x1FFC0] =	vst v3;
	v3 =	vld [tilespmem:$0x1FFD0]  }
0x119: {  	v56 =	vld.idx.msk [tilespmem:v48+s26+$0x0], $0xffff;
	v55 =	vmul.f32 $1.442695020e+00, v55;
	v8 =	vadd.f32 v8, v61;
	v61 =	vmul.f32 $1.442695020e+00, v28  }
0x11a: {  	v28 =	vmul.f32 v60, v47;
	v44 =	vpop (erf);
	(erf) = vpow2.f32 v45;
	v45 =	vld.idx.msk [tilespmem:v13+s22+$0x0], $0xffff  }
0x11b: {  	v19 =	vmax.f32 v19, v42;
	v60 =	vld.idx.msk [tilespmem:v21+s24+$0x0], $0xffff;
	v47 =	vmul.f32 v16, v53;
	v5 =	vmul.f32 v57, v5  }
0x11c: {  	v36 =	vsub.f32 v27, v19;
	v57 =	vld.idx.msk [tilespmem:v40+s26+$0x0], $0xffff;
	v50 =	vmul.f32 v50, v41;
	(erf) = vpow2.f32 v55  }
0x11d: {  	v63 =	vsub.f32 v42, v19;
	v55 =	vld.idx.msk [tilespmem:v21+s23+$0x0], $0xffff;
	v42 =	vpop (erf);
	(erf) = vpow2.f32 v25;
	v14 =	vadd.f32 v14, v3  }
0x11e: {  	v3 =	vmov v44;
	v41 =	vpop (erf);
	v44 =	vmul.f32 v58, v49;
	(erf) = vpow2.f32 v1;
	v58 =	vld.idx.msk [tilespmem:v48+s25+$0x0], $0xffff  }
0x11f: {  	v38 =	vadd.f32 v38, v37;
	[tilespmem:$0x1FFD0] =	vst v3;
	v3 =	vld.idx.msk [tilespmem:v13+s23+$0x0], $0xffff;
	(erf) = vpow2.f32 v46;
	v1 =	vmul.f32 v54, v45  }
0x120: {  	v37 =	vmovc v2;
	v34 =	vmovc v9;
	v33 =	vmov v11;
	v53 =	vmul.f32 $1.442695020e+00, v36;
	v10 =	vmul.f32 v42, v10;
	v46 =	vld.idx.msk [tilespmem:v40+s20+$0x0], $0xffff  }
0x121: {  	v30 =	vmovc v12;
	v20 =	vmax.f32 v20, v4;
	v42 =	vld.idx.msk [tilespmem:v48+s28+$0x0], $0xffff;
	(erf) = vpow2.f32 v51;
	v1 =	vmul.f32 v43, v1  }
0x122: {  	v27 =	vmovc v19;
	v31 =	vmovc v15;
	v29 =	vmov v18;
	v25 =	vmul.f32 v56, v57;
	(erf) = vpow2.f32 v61;
	v61 =	vld.idx.msk [tilespmem:v13+s24+$0x0], $0xffff  }
0x123: {  	p0 =	sne.s32 s30, $0x3F7E;
	v16 =	vmovc v32;
	v32 =	vsub.f32 v24, v20;
	v24 =	vmovc v20;
	v48 =	vld.idx.msk [tilespmem:v21+s26+$0x0], $0xffff;
	v49 =	vmul.f32 $1.442695020e+00, v0;
	v1 =	vmul.f32 $1.000000000e+02, v1  }
.Ltmp4:
0x124: {  	v40 =	vld.idx.msk [tilespmem:v40+s28+$0x0], $0xffff;
	v10 =	vadd.f32 v10, v41;
	v45 =	vmul.f32 v58, v59;
	v43 =	vpop (erf);
	v3 =	vmul.f32 v55, v3;
	(pc) =	sbr.rel @p0 .LBB2_11-.Ltmp4, $4  }
0x125: {  	v41 =	vld.idx.msk [tilespmem:v13+s21+$0x0], $0xffff;
	v0 =	vpop (erf);
	v39 =	vmul.f32 v43, v39;
	v43 =	vmul.f32 v62, v46;
	v46 =	vsub.f32 v4, v20  }
0x126: {  	v54 =	vld.idx.msk [tilespmem:v13+s28+$0x0], $0xffff;
	v0 =	vmul.f32 v0, v23;
	v23 =	vpop (erf);
	v2 =	vmax.f32 v2, v1;
	v56 =	vmul.f32 v50, v3  }
0x127: {  	v51 =	vld.idx.msk [tilespmem:v13+s25+$0x0], $0xffff;
	v50 =	vmul.f32 $1.442695020e+00, v63;
	v58 =	vmul.f32 v60, v61;
	v36 =	vsub.f32 v1, v2;
	v1 =	vpop (erf)  }
0x128: {  	s30 =	sadd.s32 $0x102, s30;
	s31 =	sadd.s32 $0x102, s31;
	v55 =	vld.idx.msk [tilespmem:v21+s28+$0x0], $0xffff;
	v38 =	vmul.f32 v23, v38;
	v57 =	vsub.f32 v37, v2;
	v23 =	vadd.f32 v0, v1;
	v37 =	vpop (erf)  }
0x129: {  	(erf) = vpow2.f32 v53;
	v1 =	vmul.f32 $1.000000000e+02, v56  }
0x12a: {  	v3 =	vmul.f32 v48, v52;
	v4 =	vmul.f32 v44, v58  }
0x12b: {  	v56 =	vmul.f32 v6, v47;
	v26 =	vmul.f32 $1.000000000e+02, v26  }
0x12c: {  	v48 =	vmul.f32 $1.442695020e+00, v32;
	v0 =	vmul.f32 $1.442695020e+00, v57  }
0x12d: {  	v52 =	vld.idx.msk [tilespmem:v21+s25+$0x0], $0xffff;
	(erf) = vpow2.f32 v49;
	v49 =	vmul.f32 $1.442695020e+00, v36;
	v9 =	vmax.f32 v9, v1  }
0x12e: {  	v4 =	vmul.f32 $1.000000000e+02, v4;
	v62 =	vmul.f32 $1.000000000e+02, v56;
	v63 =	vmax.f32 v12, v26  }
0x12f: {  	v13 =	vld.idx.msk [tilespmem:v13+s20+$0x0], $0xffff;
	v3 =	vmul.f32 v25, v3;
	(erf) = vpow2.f32 v0;
	v1 =	vsub.f32 v1, v9  }
0x130: {  	v12 =	vsub.f32 v30, v63;
	v53 =	vmul.f32 v55, v54;
	v55 =	vmul.f32 v42, v40  }
0x131: {  	v57 =	vld.idx.msk [tilespmem:v21+s21+$0x0], $0xffff;
	v26 =	vsub.f32 v26, v63;
	(erf) = vpow2.f32 v35;
	v40 =	vmul.f32 $1.442695020e+00, v46  }
0x132: {  	v54 =	vsub.f32 v34, v9;
	(erf) = vpow2.f32 v50;
	v58 =	vmul.f32 v52, v51  }
0x133: {  	v6 =	vmax.f32 v11, v4;
	v1 =	vmul.f32 $1.442695020e+00, v1;
	v12 =	vmul.f32 $1.442695020e+00, v12  }
0x134: {  	v11 =	vsub.f32 v33, v6;
	v26 =	vmul.f32 $1.442695020e+00, v26;
	v13 =	vmul.f32 v16, v13  }
0x135: {  	v61 =	vsub.f32 v4, v6;
	v0 =	vmul.f32 $1.442695020e+00, v54;
	v60 =	vmul.f32 v55, v53  }
0x136: {  	v21 =	vmul.f32 v57, v41;
	v41 =	vmax.f32 v15, v62;
	v59 =	vmul.f32 v45, v58  }
0x137: {  	v42 =	vmul.f32 $1.442695020e+00, v11;
	v44 =	vsub.f32 v31, v41;
	(erf) = vpow2.f32 v0  }
0x138: {  	v4 =	vsub.f32 v62, v41;
	v33 =	vmul.f32 $1.000000000e+02, v60;
	(erf) = vpow2.f32 v1  }
0x139: {  	v46 =	vmul.f32 $1.442695020e+00, v44;
	(erf) = vpow2.f32 v17  }
0x13a: {  	v47 =	vpop (erf);
	v4 =	vmul.f32 $1.442695020e+00, v4;
	v11 =	vmax.f32 v18, v33;
	(erf) = vpow2.f32 v22  }
0x13b: {  	v45 =	vmul.f32 v28, v21;
	v18 =	vpop (erf);
	v29 =	vsub.f32 v29, v11;
	(erf) = vpow2.f32 v12  }
0x13c: {  	v0 =	vmul.f32 $1.000000000e+02, v59;
	v21 =	vpop (erf);
	(erf) = vpow2.f32 v46  }
0x13d: {  	v3 =	vmul.f32 $1.000000000e+02, v3;
	v25 =	vpop (erf);
	(erf) = vpow2.f32 v48  }
0x13e: {  	v13 =	vmul.f32 v43, v13;
	v12 =	vmax.f32 v19, v0;
	(erf) = vpow2.f32 v4;
	v4 =	vpop (erf)  }
0x13f: {  	v50 =	vmul.f32 $1.442695020e+00, v29;
	v27 =	vsub.f32 v27, v12;
	(erf) = vpow2.f32 v40;
	v29 =	vpop (erf)  }
0x140: {  	v1 =	vmul.f32 $1.442695020e+00, v61;
	v51 =	vsub.f32 v33, v11;
	(erf) = vpow2.f32 v26;
	v26 =	vpop (erf)  }
0x141: {  	v52 =	vmul.f32 $1.000000000e+02, v45;
	v27 =	vmul.f32 $1.442695020e+00, v27;
	v19 =	vpop (erf)  }
0x142: {  	v0 =	vsub.f32 v0, v12;
	v16 =	vmul.f32 $1.442695020e+00, v51;
	(erf) = vpow2.f32 v50;
	v30 =	vpop (erf)  }
0x143: {  	v53 =	vmul.f32 $1.000000000e+02, v13;
	(erf) = vpow2.f32 v27;
	v32 =	vpop (erf)  }
0x144: {  	v15 =	vmax.f32 v63, v52;
	v0 =	vmul.f32 $1.442695020e+00, v0;
	(erf) = vpow2.f32 v16;
	v33 =	vpop (erf)  }
0x145: {  	v55 =	vsub.f32 v63, v15;
	v16 =	vmax.f32 v41, v53;
	v54 =	vpop (erf);
	(erf) = vpow2.f32 v49  }
0x146: {  	v13 =	vmax.f32 v20, v3;
	v57 =	vsub.f32 v41, v16;
	v56 =	vpop (erf);
	(erf) = vpow2.f32 v0  }
0x147: {  	v24 =	vsub.f32 v24, v13;
	v58 =	vmul.f32 $1.442695020e+00, v55;
	v34 =	vpop (erf);
	(erf) = vpow2.f32 v42  }
0x148: {  	v60 =	vsub.f32 v53, v16;
	v0 =	vmul.f32 $1.442695020e+00, v57;
	v59 =	vpop (erf);
	(erf) = vpow2.f32 v1  }
0x149: {  	v3 =	vsub.f32 v3, v13;
	v61 =	vmul.f32 $1.442695020e+00, v24;
	v27 =	vpop (erf);
	(erf) = vpow2.f32 v58  }
0x14a: {  	v31 =	vsub.f32 v52, v15;
	v1 =	vmul.f32 $1.442695020e+00, v60;
	v62 =	vpop (erf);
	(erf) = vpow2.f32 v0  }
0x14b: {  	v3 =	vmul.f32 $1.442695020e+00, v3;
	v63 =	vpop (erf);
	(erf) = vpow2.f32 v61  }
0x14c: {  	v31 =	vmul.f32 $1.442695020e+00, v31;
	v42 =	vpop (erf);
	(erf) = vpow2.f32 v1  }
0x14d: {  	v43 =	vpop (erf);
	(erf) = vpow2.f32 v3  }
0x14e: {  	v44 =	vpop (erf);
	(erf) = vpow2.f32 v31  }
0x14f: {  	v45 =	vpop (erf)  }
0x150: {  	v22 =	vadd.f32 v39, v47;
	v46 =	vpop (erf)  }
0x151: {  	v7 =	vmul.f32 v18, v7;
	v8 =	vmul.f32 v21, v8;
	v58 =	vld [tilespmem:$0x1FFC0];
	v47 =	vpop (erf)  }
0x152: {  	v5 =	vadd.f32 v5, v29;
	v22 =	vmul.f32 v54, v22;
	v48 =	vpop (erf)  }
0x153: {  	v7 =	vadd.f32 v7, v25;
	v8 =	vadd.f32 v8, v26;
	v20 =	vmul.f32 v56, v23;
	v60 =	vld [tilespmem:$0x1FFD0];
	v49 =	vpop (erf)  }
0x154: {  	v4 =	vmul.f32 v4, v5;
	v10 =	vmul.f32 v32, v10;
	v22 =	vadd.f32 v22, v62;
	v50 =	vpop (erf)  }
0x155: {  	v53 =	vadd.f32 v38, v37;
	v51 =	vadd.f32 v20, v59;
	v0 =	vmul.f32 v63, v7;
	v52 =	vpop (erf)  }
0x156: {  	v10 =	vadd.f32 v10, v33;
	v14 =	vmul.f32 v58, v14;
	v54 =	vmul.f32 v48, v22;
	v55 =	vpop (erf)  }
0x157: {  	v59 =	vmul.f32 v34, v53;
	v0 =	vadd.f32 v0, v43;
	v56 =	vmul.f32 v49, v51;
	v57 =	vpop (erf)  }
0x158: {  	v23 =	vmul.f32 v42, v8;
	v14 =	vadd.f32 v14, v60;
	v18 =	vadd.f32 v54, v57  }
0x159: {  	v3 =	vadd.f32 v4, v44;
	v32 =	vcvt.s32.f32 v0;
	v5 =	vadd.f32 v56, v52  }
0x15a: {  	v4 =	vadd.f32 v23, v45;
	v19 =	vmul.f32 v19, v14;
	v61 =	vcvt.s32.f32 v18  }
0x15b: {  	v62 =	vadd.f32 v59, v27;
	v10 =	vmul.f32 v46, v10;
	v63 =	vcvt.s32.f32 v5  }
0x15c: {  	v36 =	vcvt.s32.f32 v4;
	v1 =	vadd.f32 v19, v30;
	v7 =	vmul.f32 $8.262958320e-08, v61  }
0x15d: {  	v10 =	vadd.f32 v10, v47;
	v30 =	vcvt.s32.f32 v3;
	v25 =	vmul.f32 $8.262958320e-08, v63  }
0x15e: {  	v28 =	vmul.f32 v50, v62;
	v27 =	vcvt.s32.f32 v1;
	v7 =	vadd.f32 $-8.798996730e+01, v7  }
0x15f: {  	v34 =	vcvt.s32.f32 v10;
	v21 =	vmul.f32 $8.262958320e-08, v30;
	v8 =	vadd.f32 $-8.798996730e+01, v25  }
0x160: {  	v19 =	vadd.f32 v28, v55;
	v17 =	vmul.f32 $8.262958320e-08, v27;
	v26 =	vsub.f32 $0.0e+00, v7  }
0x161: {  	v23 =	vmul.f32 $8.262958320e-08, v36;
	v33 =	vadd.f32 $-8.798996730e+01, v21;
	v29 =	vsub.f32 $0.0e+00, v8  }
0x162: {  	v21 =	vmul.f32 $8.262958320e-08, v34;
	v31 =	vadd.f32 $-8.798996730e+01, v17;
	v14 =	vmul.f32 $1.442695020e+00, v26  }
0x163: {  	v17 =	vmul.f32 $8.262958320e-08, v32;
	v20 =	vmul.f32 $1.442695020e+00, v29  }
0x164: {  	v38 =	vcvt.s32.f32 v19;
	v35 =	vsub.f32 $0.0e+00, v31;
	(erf) = vpow2.f32 v14  }
0x165: {  	v37 =	vsub.f32 $0.0e+00, v33;
	v17 =	vadd.f32 $-8.798996730e+01, v17;
	(erf) = vpow2.f32 v20  }
0x166: {  	v21 =	vadd.f32 $-8.798996730e+01, v21;
	v25 =	vmul.f32 $8.262958320e-08, v38;
	v22 =	vmul.f32 $1.442695020e+00, v35  }
0x167: {  	v23 =	vadd.f32 $-8.798996730e+01, v23;
	v24 =	vmul.f32 $1.442695020e+00, v37;
	v39 =	vsub.f32 $0.0e+00, v17  }
0x168: {  	v40 =	vsub.f32 $0.0e+00, v21;
	v25 =	vadd.f32 $-8.798996730e+01, v25;
	(erf) = vpow2.f32 v22  }
0x169: {  	v41 =	vsub.f32 $0.0e+00, v23;
	v22 =	vmul.f32 $1.442695020e+00, v39;
	(erf) = vpow2.f32 v24  }
0x16a: {  	v42 =	vsub.f32 $0.0e+00, v25;
	v24 =	vmul.f32 $1.442695020e+00, v40  }
0x16b: {  	v43 =	vmul.f32 $1.442695020e+00, v41;
	(erf) = vpow2.f32 v22  }
0x16c: {  	v45 =	vmul.f32 $1.442695020e+00, v42;
	(erf) = vpow2.f32 v24  }
0x16d: {  	v44 =	vpop (erf);
	(erf) = vpow2.f32 v43  }
0x16e: {  	v46 =	vpop (erf);
	(erf) = vpow2.f32 v45  }
0x16f: {  	v55 =	vadd.f32 $-1.000000000e+00, v23;
	v49 =	vadd.f32 $-1.000000000e+00, v33  }
0x170: {  	v53 =	vadd.f32 $-1.000000000e+00, v21;
	v7 =	vadd.f32 $-1.000000000e+00, v7;
	v18 =	vmul.f32 v44, v18  }
0x171: {  	v8 =	vadd.f32 $-1.000000000e+00, v8;
	v51 =	vadd.f32 $-1.000000000e+00, v17;
	v5 =	vmul.f32 v46, v5;
	v47 =	vpop (erf)  }
0x172: {  	v14 =	vadd.f32 $-1.000000000e+00, v31;
	v7 =	vadd.f32 v18, v7;
	v1 =	vmul.f32 v47, v1;
	v48 =	vpop (erf)  }
0x173: {  	v57 =	vadd.f32 $-1.000000000e+00, v25;
	v5 =	vadd.f32 v5, v8;
	v3 =	vmul.f32 v48, v3  }
0x174: {  	v50 =	vpop (erf);
	v7 =	vadd.f32 v7, v15;
	v1 =	vadd.f32 v1, v14  }
0x175: {  	v0 =	vmul.f32 v50, v0;
	v52 =	vpop (erf);
	v5 =	vadd.f32 v5, v16;
	v3 =	vadd.f32 v3, v49  }
0x176: {  	v8 =	vmul.f32 v52, v10;
	v7 =	vmul.f32 $9.999999770e-03, v7;
	v1 =	vadd.f32 v1, v9;
	v54 =	vpop (erf)  }
0x177: {  	s0 =	sshll.u32 s19, $0xA;
	v0 =	vadd.f32 v0, v51;
	v5 =	vmul.f32 $9.999999770e-03, v5;
	v4 =	vmul.f32 v54, v4;
	v56 =	vpop (erf)  }
0x178: {  	s0 =	sadd.s32 s29, s0;
	v2 =	vadd.f32 v3, v2;
	v3 =	vadd.f32 v8, v53;
	v10 =	vmul.f32 v56, v19  }
0x179: {  	[tilespmem:s0+$0x16080] =	vst v7;
	v1 =	vmul.f32 $9.999999770e-03, v1;
	v0 =	vadd.f32 v0, v11;
	v4 =	vadd.f32 v4, v55  }
0x17a: {  	s18 =	sadd.s32 $0x1, s18;
	[tilespmem:s0+$0x16100] =	vst v5;
	v2 =	vmul.f32 $9.999999770e-03, v2;
	v3 =	vadd.f32 v3, v6;
	v58 =	vadd.f32 v10, v57  }
0x17b: {  	p0 =	sne.s32 s18, $0x20;
	[tilespmem:s0+$0x16180] =	vst v1;
	v0 =	vmul.f32 $9.999999770e-03, v0;
	v59 =	vadd.f32 v4, v12  }
.Ltmp5:
0x17c: {  	[tilespmem:s0+$0x16200] =	vst v2;
	v60 =	vmul.f32 $9.999999770e-03, v3;
	v61 =	vadd.f32 v58, v13;
	(pc) =	sbr.rel @p0 .LBB2_10-.Ltmp5, $4  }
0x17d: {  	[tilespmem:s0+$0x16280] =	vst v0;
	v62 =	vmul.f32 $9.999999770e-03, v59  }
0x17e: {  	[tilespmem:s0+$0x16300] =	vst v60;
	v63 =	vmul.f32 $9.999999770e-03, v61  }
0x17f: {  	[tilespmem:s0+$0x16380] =	vst v62  }
0x180: {  	s17 =	sadd.s32 $0x4, s17;
	[tilespmem:s0+$0x16400] =	vst v63  }
0x181: {  	[hbm4b:s6+s12] =	stream.strided.scatter [tilespmem:s14], [sflag:$0x2], $0x1000, s13, s12, $0x38;
	[tilespmem:$0x17080] =	vst v63  }
0x182: {  	s15 =	sadd.s32 $0x1, s15  }
0x183: {  	p0 =	sne.s32 s15, s7  }
.Ltmp6:
0x184: {  	_ = 	snop;
	(pc) =	sbr.rel @p0 .LBB2_1-.Ltmp6, $4  }
0x185: {  	_ =	swait.ge [sflag:s9], $0x1000  }
0x186: {  	v1 =	vld [tilespmem:$0x1FFF0]  }
0x187: {  	[sflag:s9] =	ssyncset.done $0x0  }
0x188: {  	v0 =	vld [tilespmem:$0x1FFE0];
	[sflag:s9] =	ssyncadd.s32 $0xFFFFF000  }
0x189: {  	_ =	sfence.sel $0x180000  }
0x18a: {  	[bflag:$0x0] =	sbarrier.arrive $0xFFFF  }
0x18b: {  	_ =	strace $0x90000047  }
0x18c: {  	s0 =	stileid.u32;
	[bflag:$0x2] =	sbarrier.arrive $0xFFFF  }
0x18d: {  	p0 =	sne.s32 s0, $0x0;
	s0 =	rddreg [dreg:$0x3]  }
0x18e: {  	s0 =	sadd.s32 @!p0 $0x100000, s0  }
0x18f: {  	[sflag:s0] =	ssyncadd.tile.s32 @!p0 $0x1;
	_ =	shalt  }
.Lfunc_end2:
_tile_overlayer_lowered:
.L_overlay_start_2:
0x190: {  	(tag) =	ssettag $0x2  }
0x191: {  	s0 =	rddreg [dreg:$0x0];
	s2 =	stileid.u32  }
0x192: {  	s1 =	rddreg [dreg:$0x1];
	p0 =	sne.s32 s2, $0x0  }
0x193: {  	s3 =	rddreg [dreg:$0x2];
	[bflag:$0x3] =	sbarrier.arrive $0xFFFF;
	s2 =	simm.s32 @!p0 $0x1C02  }
0x194: {  	[timem:s3], [sflag:s2] =	dma.local @!p0 [hbm:s0], s1  }
0x195: {  	s0 =	simm.s32 @!p0 $0x2  }
0x196: {  	_ =	swait.ge @!p0 [sflag:s0], s1  }
0x197: {  	s1 =	ssub.s32 @!p0 $0x0, s1;
	[sflag:s0] =	ssyncset.done @!p0 $0x0  }
0x198: {  	[sflag:s0] =	ssyncadd.s32 @!p0 s1  }
0x199: {  	[bflag:$0x3] =	sbarrier.arrive $0xFFFF  }
0x19a: {  	_ =	shalt  }

</sc_bundles>
